<compile_context>
chip_gen: v7x
topology: tpu7x:2x2x1
jax: 0.10.2.dev20260603
libtpu: 0.0.44.dev20260713+nightly
codegen_flags: <defaults>
</compile_context>

<pallas_src>
import functools

import jax
import jax.numpy as jnp
from jax import lax
from jax.experimental import pallas as pl
from jax.experimental.pallas import tpu as pltpu
from jax.experimental.pallas import tpu_sc as plsc




def _table_body(emb_ref, w_ref, b_ref, t_ref):
    o = w_ref.shape[0]
    acc = lax.dot_general(
        emb_ref[...],
        w_ref[...],
        dimension_numbers=(((1,), (1,)), ((), ())),
        preferred_element_type=jnp.float32,
    )
    t_ref[:, :o] = jnp.tanh(acc + b_ref[...])
    t_ref[:, o:] = jnp.zeros((t_ref.shape[0], t_ref.shape[1] - o), jnp.float32)


def _make_table(emb, w, b, opad):
    v = emb.shape[0]
    o = w.shape[0]
    return pl.pallas_call(
        _table_body,
        out_shape=jax.ShapeDtypeStruct((v, opad), jnp.float32),
    )(emb, w, b.reshape(1, o))



_NC, _NS = 2, 16
_NW = _NC * _NS


@functools.lru_cache(maxsize=None)
def _make_gather(n, opad, chunk):
    per_w = n // _NW
    nchunk = per_w // chunk
    assert per_w % chunk == 0 and n % (8 * _NW) == 0

    mesh = plsc.VectorSubcoreMesh(core_axis_name="c", subcore_axis_name="s")

    @functools.partial(
        pl.kernel,
        mesh=mesh,
        compiler_params=pltpu.CompilerParams(use_tc_tiling_on_sc=False),
        out_type=jax.ShapeDtypeStruct((n, opad), jnp.float32),
        scratch_types=[
            pltpu.VMEM((per_w,), jnp.int32),
            pltpu.VMEM((chunk, opad), jnp.float32),
            pltpu.VMEM((chunk, opad), jnp.float32),
            pltpu.VMEM_SHARED((500, opad), jnp.float32),
            pltpu.SemaphoreType.DMA,
            pltpu.SemaphoreType.DMA,
            pltpu.SemaphoreType.DMA,
            pltpu.SemaphoreType.DMA,
        ],
    )
    def _gather(table_hbm, idx_hbm, out_hbm, idx_v, rows0, rows1, table_sh,
                g0, g1, s0, s1):
        sid = lax.axis_index("s")
        wid = sid * _NC + lax.axis_index("c")
        base = wid * per_w
        @pl.when(sid == 0)
        def _():
            pltpu.sync_copy(table_hbm, table_sh)

        pltpu.sync_copy(idx_hbm.at[pl.ds(base, per_w)], idx_v)
        plsc.subcore_barrier()

        bufs = (rows0, rows1)
        gsems = (g0, g1)
        ssems = (s0, s1)
        scat = [None] * nchunk
        for c in range(nchunk):
            bi = c & 1
            if c >= 2:
                scat[c - 2].wait()
            gath = pltpu.async_copy(
                table_sh.at[idx_v.at[pl.ds(c * chunk, chunk)]], bufs[bi], gsems[bi]
            )
            gath.wait()
            scat[c] = pltpu.async_copy(
                bufs[bi], out_hbm.at[pl.ds(base + c * chunk, chunk)], ssems[bi]
            )
        scat[nchunk - 2].wait()
        scat[nchunk - 1].wait()

    return _gather


def kernel(x, emb, W, b):
    bsz, seq = x.shape
    o = W.shape[0]
    opad = 32
    n = bsz * seq
    table = _make_table(emb, W, b, opad)
    idx = x.reshape(-1).astype(jnp.int32)
    out32 = _make_gather(n, opad, 1600)(table, idx)
    return out32[:, :o].reshape(bsz, seq, o)

# --- scband reference (transcript-rebuilt; emitter-appended) ---
"""Pipeline reference for scband-text-sumer-9895604650312 (READ-ONLY COPY).

The authoritative reference and input builder live on the scoring server;
editing this copy changes nothing except your own understanding.
"""

import jax, jax.numpy as jnp
import numpy as np


def setup_inputs(seed: int = 0) -> dict:
    key = jax.random.key(seed)
    k_x, k_emb, k_w, k_b = jax.random.split(key, 4)
    x = jax.random.randint(k_x, (4096, 200), 0, 500, dtype=jnp.int64)
    # nn.Embedding(500, 100): weights ~ N(0,1)
    emb = jax.random.normal(k_emb, (500, 100), dtype=jnp.float32)
    # nn.Linear(100, 30): kaiming-uniform-ish init
    bound = 1.0 / np.sqrt(100.0)
    W = jax.random.uniform(k_w, (30, 100), dtype=jnp.float32, minval=-bound, maxval=bound)
    b = jax.random.uniform(k_b, (30,), dtype=jnp.float32, minval=-bound, maxval=bound)
    return {"x": x, "emb": emb, "W": W, "b": b}


def reference(x, emb, W, b):
    # x = self.embedding(x)
    h = jnp.take(emb, x, axis=0)  # [B, L, 100]
    # x = self.linear(x)
    y = jnp.einsum('bld,od->blo', h, W) + b  # [B, L, 30]
    # x = self.tanh(x)
    return jnp.tanh(y)

if __name__ == "__main__":
    import jax
    _d = setup_inputs()
    print(jax.jit(kernel)(*tuple(_d.values())))

</pallas_src>

<mosaic_0001>
#map = affine_map<(d0, d1) -> (0, 0)>
#map1 = affine_map<(d0, d1) -> (0)>
module attributes {stable_mosaic.version = 14 : i64} {
  func.func @_gather(%arg0: i32, %arg1: i32, %arg2: memref<500x32xf32, #tpu.memory_space<hbm>>, %arg3: memref<819200xi32, #tpu.memory_space<hbm>>, %arg4: memref<819200x32xf32, #tpu.memory_space<hbm>>, %arg5: memref<25600xi32, #tpu.memory_space<vmem>>, %arg6: memref<1600x32xf32, #tpu.memory_space<vmem>>, %arg7: memref<1600x32xf32, #tpu.memory_space<vmem>>, %arg8: memref<500x32xf32, #tpu.memory_space<vmem_shared>>, %arg9: memref<!tpu.dma_semaphore, #tpu.memory_space<semaphore_mem>>, %arg10: memref<!tpu.dma_semaphore, #tpu.memory_space<semaphore_mem>>, %arg11: memref<!tpu.dma_semaphore, #tpu.memory_space<semaphore_mem>>, %arg12: memref<!tpu.dma_semaphore, #tpu.memory_space<semaphore_mem>>) attributes {dimension_semantics = [#tpu.dimension_semantics<core_parallel>, #tpu.dimension_semantics<subcore_parallel>], iteration_bounds = array<i64: 2, 16>, scalar_prefetch = 0 : i64, scratch_operands = 8 : i64, tpu.core_type = #tpu.core_type<sc_vector_subcore>, window_params = [{transform_indices = #map}, {transform_indices = #map1}, {transform_indices = #map}]} {
    %mul3A = arith.constant 2 : i32
    %mul3A_0 = arith.muli %arg1, %mul3A : i32
    %add3A = arith.addi %mul3A_0, %arg0 : i32
    %mul3A_1 = arith.constant 25600 : i32
    %mul3A_2 = arith.muli %add3A, %mul3A_1 : i32
    %eq3A = arith.constant 0 : i32
    %eq3A_3 = arith.cmpi eq, %arg1, %eq3A : i32
    %convert_element_type3A = arith.extui %eq3A_3 : i1 to i32
    %cond3A = arith.constant 0 : i32
    %cond3A_4 = arith.cmpi ne, %convert_element_type3A, %cond3A : i32
    scf.if %cond3A_4 {
      "tpu.region"() ({
        %run_scoped3A = tpu.sem_alloc : memref<!tpu.dma_semaphore, #tpu.memory_space<semaphore_mem>>
        tpu.enqueue_dma source(%arg2 : memref<500x32xf32, #tpu.memory_space<hbm>>) target(%arg8 : memref<500x32xf32, #tpu.memory_space<vmem_shared>>) target_semaphore(%run_scoped3A : memref<!tpu.dma_semaphore, #tpu.memory_space<semaphore_mem>>)
        tpu.wait_dma2 semaphore(%run_scoped3A : memref<!tpu.dma_semaphore, #tpu.memory_space<semaphore_mem>>) src(%arg2 : memref<500x32xf32, #tpu.memory_space<hbm>>) dst(%arg8 : memref<500x32xf32, #tpu.memory_space<vmem_shared>>)
        tpu.yield
      }) : () -> ()
    } else {
    }
    "tpu.region"() ({
      %run_scoped3A = tpu.sem_alloc : memref<!tpu.dma_semaphore, #tpu.memory_space<semaphore_mem>>
      %dma_start3A_323 = tpu.memref_slice %arg3[%mul3A_2] : memref<819200xi32, #tpu.memory_space<hbm>> -> memref<25600xi32, #tpu.memory_space<hbm>>
      %dma_start3A_324 = tpu.memref_slice %arg3[%mul3A_2] : memref<819200xi32, #tpu.memory_space<hbm>> -> memref<25600xi32, #tpu.memory_space<hbm>>
      tpu.enqueue_dma source(%dma_start3A_324 : memref<25600xi32, #tpu.memory_space<hbm>>) target(%arg5 : memref<25600xi32, #tpu.memory_space<vmem>>) target_semaphore(%run_scoped3A : memref<!tpu.dma_semaphore, #tpu.memory_space<semaphore_mem>>)
      %dma_wait3A_325 = tpu.memref_slice %arg3[%mul3A_2] : memref<819200xi32, #tpu.memory_space<hbm>> -> memref<25600xi32, #tpu.memory_space<hbm>>
      %dma_wait3A_326 = tpu.memref_slice %arg3[%mul3A_2] : memref<819200xi32, #tpu.memory_space<hbm>> -> memref<25600xi32, #tpu.memory_space<hbm>>
      tpu.wait_dma2 semaphore(%run_scoped3A : memref<!tpu.dma_semaphore, #tpu.memory_space<semaphore_mem>>) src(%dma_wait3A_326 : memref<25600xi32, #tpu.memory_space<hbm>>) dst(%arg5 : memref<25600xi32, #tpu.memory_space<vmem>>)
      tpu.yield
    }) : () -> ()
    %barrier3A = arith.constant 0 : index
    tpu.barrier barrier_id(%barrier3A)
    %dma_start3A = arith.constant 0 : i32
    %dma_start3A_5 = tpu.memref_slice %arg5[%dma_start3A] : memref<25600xi32, #tpu.memory_space<vmem>> -> memref<1600xi32, #tpu.memory_space<vmem>>
    %dma_start3A_6 = arith.constant 0 : i32
    %dma_start3A_7 = arith.constant 0 : i32
    %dma_start3A_8 = tpu.memref_slice %arg8[%dma_start3A_6, %dma_start3A_7] : memref<500x32xf32, #tpu.memory_space<vmem_shared>> -> memref<500x32xf32, #tpu.memory_space<vmem_shared>>
    tpu.enqueue_indirect_dma source(%dma_start3A_8 : memref<500x32xf32, #tpu.memory_space<vmem_shared>>) target(%arg6 : memref<1600x32xf32, #tpu.memory_space<vmem>>) offsets(%dma_start3A_5 : memref<1600xi32, #tpu.memory_space<vmem>>) semaphore(%arg9 : memref<!tpu.dma_semaphore, #tpu.memory_space<semaphore_mem>>)
    %dma_wait3A = arith.constant 0 : i32
    %dma_wait3A_9 = tpu.memref_slice %arg5[%dma_wait3A] : memref<25600xi32, #tpu.memory_space<vmem>> -> memref<1600xi32, #tpu.memory_space<vmem>>
    %dma_wait3A_10 = arith.constant 0 : i32
    %dma_wait3A_11 = arith.constant 0 : i32
    %dma_wait3A_12 = tpu.memref_slice %arg8[%dma_wait3A_10, %dma_wait3A_11] : memref<500x32xf32, #tpu.memory_space<vmem_shared>> -> memref<500x32xf32, #tpu.memory_space<vmem_shared>>
    tpu.wait_indirect_dma semaphore(%arg9 : memref<!tpu.dma_semaphore, #tpu.memory_space<semaphore_mem>>) src(%dma_wait3A_12 : memref<500x32xf32, #tpu.memory_space<vmem_shared>>) dst(%arg6 : memref<1600x32xf32, #tpu.memory_space<vmem>>)
    %add3A_13 = arith.constant 0 : i32
    %add3A_14 = arith.addi %mul3A_2, %add3A_13 : i32
    %dma_start3A_15 = arith.constant 0 : i32
    %dma_start3A_16 = tpu.memref_slice %arg4[%add3A_14, %dma_start3A_15] : memref<819200x32xf32, #tpu.memory_space<hbm>> -> memref<1600x32xf32, #tpu.memory_space<hbm>>
    %dma_start3A_17 = arith.constant 0 : i32
    %dma_start3A_18 = tpu.memref_slice %arg4[%add3A_14, %dma_start3A_17] : memref<819200x32xf32, #tpu.memory_space<hbm>> -> memref<1600x32xf32, #tpu.memory_space<hbm>>
    tpu.enqueue_dma source(%arg6 : memref<1600x32xf32, #tpu.memory_space<vmem>>) target(%dma_start3A_18 : memref<1600x32xf32, #tpu.memory_space<hbm>>) target_semaphore(%arg11 : memref<!tpu.dma_semaphore, #tpu.memory_space<semaphore_mem>>)
    %dma_start3A_19 = arith.constant 1600 : i32
    %dma_start3A_20 = tpu.memref_slice %arg5[%dma_start3A_19] : memref<25600xi32, #tpu.memory_space<vmem>> -> memref<1600xi32, #tpu.memory_space<vmem>>
    %dma_start3A_21 = arith.constant 0 : i32
    %dma_start3A_22 = arith.constant 0 : i32
    %dma_start3A_23 = tpu.memref_slice %arg8[%dma_start3A_21, %dma_start3A_22] : memref<500x32xf32, #tpu.memory_space<vmem_shared>> -> memref<500x32xf32, #tpu.memory_space<vmem_shared>>
    tpu.enqueue_indirect_dma source(%dma_start3A_23 : memref<500x32xf32, #tpu.memory_space<vmem_shared>>) target(%arg7 : memref<1600x32xf32, #tpu.memory_space<vmem>>) offsets(%dma_start3A_20 : memref<1600xi32, #tpu.memory_space<vmem>>) semaphore(%arg10 : memref<!tpu.dma_semaphore, #tpu.memory_space<semaphore_mem>>)
    %dma_wait3A_24 = arith.constant 1600 : i32
    %dma_wait3A_25 = tpu.memref_slice %arg5[%dma_wait3A_24] : memref<25600xi32, #tpu.memory_space<vmem>> -> memref<1600xi32, #tpu.memory_space<vmem>>
    %dma_wait3A_26 = arith.constant 0 : i32
    %dma_wait3A_27 = arith.constant 0 : i32
    %dma_wait3A_28 = tpu.memref_slice %arg8[%dma_wait3A_26, %dma_wait3A_27] : memref<500x32xf32, #tpu.memory_space<vmem_shared>> -> memref<500x32xf32, #tpu.memory_space<vmem_shared>>
    tpu.wait_indirect_dma semaphore(%arg10 : memref<!tpu.dma_semaphore, #tpu.memory_space<semaphore_mem>>) src(%dma_wait3A_28 : memref<500x32xf32, #tpu.memory_space<vmem_shared>>) dst(%arg7 : memref<1600x32xf32, #tpu.memory_space<vmem>>)
    %add3A_29 = arith.constant 1600 : i32
    %add3A_30 = arith.addi %mul3A_2, %add3A_29 : i32
    %dma_start3A_31 = arith.constant 0 : i32
    %dma_start3A_32 = tpu.memref_slice %arg4[%add3A_30, %dma_start3A_31] : memref<819200x32xf32, #tpu.memory_space<hbm>> -> memref<1600x32xf32, #tpu.memory_space<hbm>>
    %dma_start3A_33 = arith.constant 0 : i32
    %dma_start3A_34 = tpu.memref_slice %arg4[%add3A_30, %dma_start3A_33] : memref<819200x32xf32, #tpu.memory_space<hbm>> -> memref<1600x32xf32, #tpu.memory_space<hbm>>
    tpu.enqueue_dma source(%arg7 : memref<1600x32xf32, #tpu.memory_space<vmem>>) target(%dma_start3A_34 : memref<1600x32xf32, #tpu.memory_space<hbm>>) target_semaphore(%arg12 : memref<!tpu.dma_semaphore, #tpu.memory_space<semaphore_mem>>)
    %dma_wait3A_35 = arith.constant 0 : i32
    %dma_wait3A_36 = tpu.memref_slice %arg4[%add3A_14, %dma_wait3A_35] : memref<819200x32xf32, #tpu.memory_space<hbm>> -> memref<1600x32xf32, #tpu.memory_space<hbm>>
    %dma_wait3A_37 = arith.constant 0 : i32
    %dma_wait3A_38 = tpu.memref_slice %arg4[%add3A_14, %dma_wait3A_37] : memref<819200x32xf32, #tpu.memory_space<hbm>> -> memref<1600x32xf32, #tpu.memory_space<hbm>>
    tpu.wait_dma2 semaphore(%arg11 : memref<!tpu.dma_semaphore, #tpu.memory_space<semaphore_mem>>) src(%arg6 : memref<1600x32xf32, #tpu.memory_space<vmem>>) dst(%dma_wait3A_38 : memref<1600x32xf32, #tpu.memory_space<hbm>>)
    %dma_start3A_39 = arith.constant 3200 : i32
    %dma_start3A_40 = tpu.memref_slice %arg5[%dma_start3A_39] : memref<25600xi32, #tpu.memory_space<vmem>> -> memref<1600xi32, #tpu.memory_space<vmem>>
    %dma_start3A_41 = arith.constant 0 : i32
    %dma_start3A_42 = arith.constant 0 : i32
    %dma_start3A_43 = tpu.memref_slice %arg8[%dma_start3A_41, %dma_start3A_42] : memref<500x32xf32, #tpu.memory_space<vmem_shared>> -> memref<500x32xf32, #tpu.memory_space<vmem_shared>>
    tpu.enqueue_indirect_dma source(%dma_start3A_43 : memref<500x32xf32, #tpu.memory_space<vmem_shared>>) target(%arg6 : memref<1600x32xf32, #tpu.memory_space<vmem>>) offsets(%dma_start3A_40 : memref<1600xi32, #tpu.memory_space<vmem>>) semaphore(%arg9 : memref<!tpu.dma_semaphore, #tpu.memory_space<semaphore_mem>>)
    %dma_wait3A_44 = arith.constant 3200 : i32
    %dma_wait3A_45 = tpu.memref_slice %arg5[%dma_wait3A_44] : memref<25600xi32, #tpu.memory_space<vmem>> -> memref<1600xi32, #tpu.memory_space<vmem>>
    %dma_wait3A_46 = arith.constant 0 : i32
    %dma_wait3A_47 = arith.constant 0 : i32
    %dma_wait3A_48 = tpu.memref_slice %arg8[%dma_wait3A_46, %dma_wait3A_47] : memref<500x32xf32, #tpu.memory_space<vmem_shared>> -> memref<500x32xf32, #tpu.memory_space<vmem_shared>>
    tpu.wait_indirect_dma semaphore(%arg9 : memref<!tpu.dma_semaphore, #tpu.memory_space<semaphore_mem>>) src(%dma_wait3A_48 : memref<500x32xf32, #tpu.memory_space<vmem_shared>>) dst(%arg6 : memref<1600x32xf32, #tpu.memory_space<vmem>>)
    %add3A_49 = arith.constant 3200 : i32
    %add3A_50 = arith.addi %mul3A_2, %add3A_49 : i32
    %dma_start3A_51 = arith.constant 0 : i32
    %dma_start3A_52 = tpu.memref_slice %arg4[%add3A_50, %dma_start3A_51] : memref<819200x32xf32, #tpu.memory_space<hbm>> -> memref<1600x32xf32, #tpu.memory_space<hbm>>
    %dma_start3A_53 = arith.constant 0 : i32
    %dma_start3A_54 = tpu.memref_slice %arg4[%add3A_50, %dma_start3A_53] : memref<819200x32xf32, #tpu.memory_space<hbm>> -> memref<1600x32xf32, #tpu.memory_space<hbm>>
    tpu.enqueue_dma source(%arg6 : memref<1600x32xf32, #tpu.memory_space<vmem>>) target(%dma_start3A_54 : memref<1600x32xf32, #tpu.memory_space<hbm>>) target_semaphore(%arg11 : memref<!tpu.dma_semaphore, #tpu.memory_space<semaphore_mem>>)
    %dma_wait3A_55 = arith.constant 0 : i32
    %dma_wait3A_56 = tpu.memref_slice %arg4[%add3A_30, %dma_wait3A_55] : memref<819200x32xf32, #tpu.memory_space<hbm>> -> memref<1600x32xf32, #tpu.memory_space<hbm>>
    %dma_wait3A_57 = arith.constant 0 : i32
    %dma_wait3A_58 = tpu.memref_slice %arg4[%add3A_30, %dma_wait3A_57] : memref<819200x32xf32, #tpu.memory_space<hbm>> -> memref<1600x32xf32, #tpu.memory_space<hbm>>
    tpu.wait_dma2 semaphore(%arg12 : memref<!tpu.dma_semaphore, #tpu.memory_space<semaphore_mem>>) src(%arg7 : memref<1600x32xf32, #tpu.memory_space<vmem>>) dst(%dma_wait3A_58 : memref<1600x32xf32, #tpu.memory_space<hbm>>)
    %dma_start3A_59 = arith.constant 4800 : i32
    %dma_start3A_60 = tpu.memref_slice %arg5[%dma_start3A_59] : memref<25600xi32, #tpu.memory_space<vmem>> -> memref<1600xi32, #tpu.memory_space<vmem>>
    %dma_start3A_61 = arith.constant 0 : i32
    %dma_start3A_62 = arith.constant 0 : i32
    %dma_start3A_63 = tpu.memref_slice %arg8[%dma_start3A_61, %dma_start3A_62] : memref<500x32xf32, #tpu.memory_space<vmem_shared>> -> memref<500x32xf32, #tpu.memory_space<vmem_shared>>
    tpu.enqueue_indirect_dma source(%dma_start3A_63 : memref<500x32xf32, #tpu.memory_space<vmem_shared>>) target(%arg7 : memref<1600x32xf32, #tpu.memory_space<vmem>>) offsets(%dma_start3A_60 : memref<1600xi32, #tpu.memory_space<vmem>>) semaphore(%arg10 : memref<!tpu.dma_semaphore, #tpu.memory_space<semaphore_mem>>)
    %dma_wait3A_64 = arith.constant 4800 : i32
    %dma_wait3A_65 = tpu.memref_slice %arg5[%dma_wait3A_64] : memref<25600xi32, #tpu.memory_space<vmem>> -> memref<1600xi32, #tpu.memory_space<vmem>>
    %dma_wait3A_66 = arith.constant 0 : i32
    %dma_wait3A_67 = arith.constant 0 : i32
    %dma_wait3A_68 = tpu.memref_slice %arg8[%dma_wait3A_66, %dma_wait3A_67] : memref<500x32xf32, #tpu.memory_space<vmem_shared>> -> memref<500x32xf32, #tpu.memory_space<vmem_shared>>
    tpu.wait_indirect_dma semaphore(%arg10 : memref<!tpu.dma_semaphore, #tpu.memory_space<semaphore_mem>>) src(%dma_wait3A_68 : memref<500x32xf32, #tpu.memory_space<vmem_shared>>) dst(%arg7 : memref<1600x32xf32, #tpu.memory_space<vmem>>)
    %add3A_69 = arith.constant 4800 : i32
    %add3A_70 = arith.addi %mul3A_2, %add3A_69 : i32
    %dma_start3A_71 = arith.constant 0 : i32
    %dma_start3A_72 = tpu.memref_slice %arg4[%add3A_70, %dma_start3A_71] : memref<819200x32xf32, #tpu.memory_space<hbm>> -> memref<1600x32xf32, #tpu.memory_space<hbm>>
    %dma_start3A_73 = arith.constant 0 : i32
    %dma_start3A_74 = tpu.memref_slice %arg4[%add3A_70, %dma_start3A_73] : memref<819200x32xf32, #tpu.memory_space<hbm>> -> memref<1600x32xf32, #tpu.memory_space<hbm>>
    tpu.enqueue_dma source(%arg7 : memref<1600x32xf32, #tpu.memory_space<vmem>>) target(%dma_start3A_74 : memref<1600x32xf32, #tpu.memory_space<hbm>>) target_semaphore(%arg12 : memref<!tpu.dma_semaphore, #tpu.memory_space<semaphore_mem>>)
    %dma_wait3A_75 = arith.constant 0 : i32
    %dma_wait3A_76 = tpu.memref_slice %arg4[%add3A_50, %dma_wait3A_75] : memref<819200x32xf32, #tpu.memory_space<hbm>> -> memref<1600x32xf32, #tpu.memory_space<hbm>>
    %dma_wait3A_77 = arith.constant 0 : i32
    %dma_wait3A_78 = tpu.memref_slice %arg4[%add3A_50, %dma_wait3A_77] : memref<819200x32xf32, #tpu.memory_space<hbm>> -> memref<1600x32xf32, #tpu.memory_space<hbm>>
    tpu.wait_dma2 semaphore(%arg11 : memref<!tpu.dma_semaphore, #tpu.memory_space<semaphore_mem>>) src(%arg6 : memref<1600x32xf32, #tpu.memory_space<vmem>>) dst(%dma_wait3A_78 : memref<1600x32xf32, #tpu.memory_space<hbm>>)
    %dma_start3A_79 = arith.constant 6400 : i32
    %dma_start3A_80 = tpu.memref_slice %arg5[%dma_start3A_79] : memref<25600xi32, #tpu.memory_space<vmem>> -> memref<1600xi32, #tpu.memory_space<vmem>>
    %dma_start3A_81 = arith.constant 0 : i32
    %dma_start3A_82 = arith.constant 0 : i32
    %dma_start3A_83 = tpu.memref_slice %arg8[%dma_start3A_81, %dma_start3A_82] : memref<500x32xf32, #tpu.memory_space<vmem_shared>> -> memref<500x32xf32, #tpu.memory_space<vmem_shared>>
    tpu.enqueue_indirect_dma source(%dma_start3A_83 : memref<500x32xf32, #tpu.memory_space<vmem_shared>>) target(%arg6 : memref<1600x32xf32, #tpu.memory_space<vmem>>) offsets(%dma_start3A_80 : memref<1600xi32, #tpu.memory_space<vmem>>) semaphore(%arg9 : memref<!tpu.dma_semaphore, #tpu.memory_space<semaphore_mem>>)
    %dma_wait3A_84 = arith.constant 6400 : i32
    %dma_wait3A_85 = tpu.memref_slice %arg5[%dma_wait3A_84] : memref<25600xi32, #tpu.memory_space<vmem>> -> memref<1600xi32, #tpu.memory_space<vmem>>
    %dma_wait3A_86 = arith.constant 0 : i32
    %dma_wait3A_87 = arith.constant 0 : i32
    %dma_wait3A_88 = tpu.memref_slice %arg8[%dma_wait3A_86, %dma_wait3A_87] : memref<500x32xf32, #tpu.memory_space<vmem_shared>> -> memref<500x32xf32, #tpu.memory_space<vmem_shared>>
    tpu.wait_indirect_dma semaphore(%arg9 : memref<!tpu.dma_semaphore, #tpu.memory_space<semaphore_mem>>) src(%dma_wait3A_88 : memref<500x32xf32, #tpu.memory_space<vmem_shared>>) dst(%arg6 : memref<1600x32xf32, #tpu.memory_space<vmem>>)
    %add3A_89 = arith.constant 6400 : i32
    %add3A_90 = arith.addi %mul3A_2, %add3A_89 : i32
    %dma_start3A_91 = arith.constant 0 : i32
    %dma_start3A_92 = tpu.memref_slice %arg4[%add3A_90, %dma_start3A_91] : memref<819200x32xf32, #tpu.memory_space<hbm>> -> memref<1600x32xf32, #tpu.memory_space<hbm>>
    %dma_start3A_93 = arith.constant 0 : i32
    %dma_start3A_94 = tpu.memref_slice %arg4[%add3A_90, %dma_start3A_93] : memref<819200x32xf32, #tpu.memory_space<hbm>> -> memref<1600x32xf32, #tpu.memory_space<hbm>>
    tpu.enqueue_dma source(%arg6 : memref<1600x32xf32, #tpu.memory_space<vmem>>) target(%dma_start3A_94 : memref<1600x32xf32, #tpu.memory_space<hbm>>) target_semaphore(%arg11 : memref<!tpu.dma_semaphore, #tpu.memory_space<semaphore_mem>>)
    %dma_wait3A_95 = arith.constant 0 : i32
    %dma_wait3A_96 = tpu.memref_slice %arg4[%add3A_70, %dma_wait3A_95] : memref<819200x32xf32, #tpu.memory_space<hbm>> -> memref<1600x32xf32, #tpu.memory_space<hbm>>
    %dma_wait3A_97 = arith.constant 0 : i32
    %dma_wait3A_98 = tpu.memref_slice %arg4[%add3A_70, %dma_wait3A_97] : memref<819200x32xf32, #tpu.memory_space<hbm>> -> memref<1600x32xf32, #tpu.memory_space<hbm>>
    tpu.wait_dma2 semaphore(%arg12 : memref<!tpu.dma_semaphore, #tpu.memory_space<semaphore_mem>>) src(%arg7 : memref<1600x32xf32, #tpu.memory_space<vmem>>) dst(%dma_wait3A_98 : memref<1600x32xf32, #tpu.memory_space<hbm>>)
    %dma_start3A_99 = arith.constant 8000 : i32
    %dma_start3A_100 = tpu.memref_slice %arg5[%dma_start3A_99] : memref<25600xi32, #tpu.memory_space<vmem>> -> memref<1600xi32, #tpu.memory_space<vmem>>
    %dma_start3A_101 = arith.constant 0 : i32
    %dma_start3A_102 = arith.constant 0 : i32
    %dma_start3A_103 = tpu.memref_slice %arg8[%dma_start3A_101, %dma_start3A_102] : memref<500x32xf32, #tpu.memory_space<vmem_shared>> -> memref<500x32xf32, #tpu.memory_space<vmem_shared>>
    tpu.enqueue_indirect_dma source(%dma_start3A_103 : memref<500x32xf32, #tpu.memory_space<vmem_shared>>) target(%arg7 : memref<1600x32xf32, #tpu.memory_space<vmem>>) offsets(%dma_start3A_100 : memref<1600xi32, #tpu.memory_space<vmem>>) semaphore(%arg10 : memref<!tpu.dma_semaphore, #tpu.memory_space<semaphore_mem>>)
    %dma_wait3A_104 = arith.constant 8000 : i32
    %dma_wait3A_105 = tpu.memref_slice %arg5[%dma_wait3A_104] : memref<25600xi32, #tpu.memory_space<vmem>> -> memref<1600xi32, #tpu.memory_space<vmem>>
    %dma_wait3A_106 = arith.constant 0 : i32
    %dma_wait3A_107 = arith.constant 0 : i32
    %dma_wait3A_108 = tpu.memref_slice %arg8[%dma_wait3A_106, %dma_wait3A_107] : memref<500x32xf32, #tpu.memory_space<vmem_shared>> -> memref<500x32xf32, #tpu.memory_space<vmem_shared>>
    tpu.wait_indirect_dma semaphore(%arg10 : memref<!tpu.dma_semaphore, #tpu.memory_space<semaphore_mem>>) src(%dma_wait3A_108 : memref<500x32xf32, #tpu.memory_space<vmem_shared>>) dst(%arg7 : memref<1600x32xf32, #tpu.memory_space<vmem>>)
    %add3A_109 = arith.constant 8000 : i32
    %add3A_110 = arith.addi %mul3A_2, %add3A_109 : i32
    %dma_start3A_111 = arith.constant 0 : i32
    %dma_start3A_112 = tpu.memref_slice %arg4[%add3A_110, %dma_start3A_111] : memref<819200x32xf32, #tpu.memory_space<hbm>> -> memref<1600x32xf32, #tpu.memory_space<hbm>>
    %dma_start3A_113 = arith.constant 0 : i32
    %dma_start3A_114 = tpu.memref_slice %arg4[%add3A_110, %dma_start3A_113] : memref<819200x32xf32, #tpu.memory_space<hbm>> -> memref<1600x32xf32, #tpu.memory_space<hbm>>
    tpu.enqueue_dma source(%arg7 : memref<1600x32xf32, #tpu.memory_space<vmem>>) target(%dma_start3A_114 : memref<1600x32xf32, #tpu.memory_space<hbm>>) target_semaphore(%arg12 : memref<!tpu.dma_semaphore, #tpu.memory_space<semaphore_mem>>)
    %dma_wait3A_115 = arith.constant 0 : i32
    %dma_wait3A_116 = tpu.memref_slice %arg4[%add3A_90, %dma_wait3A_115] : memref<819200x32xf32, #tpu.memory_space<hbm>> -> memref<1600x32xf32, #tpu.memory_space<hbm>>
    %dma_wait3A_117 = arith.constant 0 : i32
    %dma_wait3A_118 = tpu.memref_slice %arg4[%add3A_90, %dma_wait3A_117] : memref<819200x32xf32, #tpu.memory_space<hbm>> -> memref<1600x32xf32, #tpu.memory_space<hbm>>
    tpu.wait_dma2 semaphore(%arg11 : memref<!tpu.dma_semaphore, #tpu.memory_space<semaphore_mem>>) src(%arg6 : memref<1600x32xf32, #tpu.memory_space<vmem>>) dst(%dma_wait3A_118 : memref<1600x32xf32, #tpu.memory_space<hbm>>)
    %dma_start3A_119 = arith.constant 9600 : i32
    %dma_start3A_120 = tpu.memref_slice %arg5[%dma_start3A_119] : memref<25600xi32, #tpu.memory_space<vmem>> -> memref<1600xi32, #tpu.memory_space<vmem>>
    %dma_start3A_121 = arith.constant 0 : i32
    %dma_start3A_122 = arith.constant 0 : i32
    %dma_start3A_123 = tpu.memref_slice %arg8[%dma_start3A_121, %dma_start3A_122] : memref<500x32xf32, #tpu.memory_space<vmem_shared>> -> memref<500x32xf32, #tpu.memory_space<vmem_shared>>
    tpu.enqueue_indirect_dma source(%dma_start3A_123 : memref<500x32xf32, #tpu.memory_space<vmem_shared>>) target(%arg6 : memref<1600x32xf32, #tpu.memory_space<vmem>>) offsets(%dma_start3A_120 : memref<1600xi32, #tpu.memory_space<vmem>>) semaphore(%arg9 : memref<!tpu.dma_semaphore, #tpu.memory_space<semaphore_mem>>)
    %dma_wait3A_124 = arith.constant 9600 : i32
    %dma_wait3A_125 = tpu.memref_slice %arg5[%dma_wait3A_124] : memref<25600xi32, #tpu.memory_space<vmem>> -> memref<1600xi32, #tpu.memory_space<vmem>>
    %dma_wait3A_126 = arith.constant 0 : i32
    %dma_wait3A_127 = arith.constant 0 : i32
    %dma_wait3A_128 = tpu.memref_slice %arg8[%dma_wait3A_126, %dma_wait3A_127] : memref<500x32xf32, #tpu.memory_space<vmem_shared>> -> memref<500x32xf32, #tpu.memory_space<vmem_shared>>
    tpu.wait_indirect_dma semaphore(%arg9 : memref<!tpu.dma_semaphore, #tpu.memory_space<semaphore_mem>>) src(%dma_wait3A_128 : memref<500x32xf32, #tpu.memory_space<vmem_shared>>) dst(%arg6 : memref<1600x32xf32, #tpu.memory_space<vmem>>)
    %add3A_129 = arith.constant 9600 : i32
    %add3A_130 = arith.addi %mul3A_2, %add3A_129 : i32
    %dma_start3A_131 = arith.constant 0 : i32
    %dma_start3A_132 = tpu.memref_slice %arg4[%add3A_130, %dma_start3A_131] : memref<819200x32xf32, #tpu.memory_space<hbm>> -> memref<1600x32xf32, #tpu.memory_space<hbm>>
    %dma_start3A_133 = arith.constant 0 : i32
    %dma_start3A_134 = tpu.memref_slice %arg4[%add3A_130, %dma_start3A_133] : memref<819200x32xf32, #tpu.memory_space<hbm>> -> memref<1600x32xf32, #tpu.memory_space<hbm>>
    tpu.enqueue_dma source(%arg6 : memref<1600x32xf32, #tpu.memory_space<vmem>>) target(%dma_start3A_134 : memref<1600x32xf32, #tpu.memory_space<hbm>>) target_semaphore(%arg11 : memref<!tpu.dma_semaphore, #tpu.memory_space<semaphore_mem>>)
    %dma_wait3A_135 = arith.constant 0 : i32
    %dma_wait3A_136 = tpu.memref_slice %arg4[%add3A_110, %dma_wait3A_135] : memref<819200x32xf32, #tpu.memory_space<hbm>> -> memref<1600x32xf32, #tpu.memory_space<hbm>>
    %dma_wait3A_137 = arith.constant 0 : i32
    %dma_wait3A_138 = tpu.memref_slice %arg4[%add3A_110, %dma_wait3A_137] : memref<819200x32xf32, #tpu.memory_space<hbm>> -> memref<1600x32xf32, #tpu.memory_space<hbm>>
    tpu.wait_dma2 semaphore(%arg12 : memref<!tpu.dma_semaphore, #tpu.memory_space<semaphore_mem>>) src(%arg7 : memref<1600x32xf32, #tpu.memory_space<vmem>>) dst(%dma_wait3A_138 : memref<1600x32xf32, #tpu.memory_space<hbm>>)
    %dma_start3A_139 = arith.constant 11200 : i32
    %dma_start3A_140 = tpu.memref_slice %arg5[%dma_start3A_139] : memref<25600xi32, #tpu.memory_space<vmem>> -> memref<1600xi32, #tpu.memory_space<vmem>>
    %dma_start3A_141 = arith.constant 0 : i32
    %dma_start3A_142 = arith.constant 0 : i32
    %dma_start3A_143 = tpu.memref_slice %arg8[%dma_start3A_141, %dma_start3A_142] : memref<500x32xf32, #tpu.memory_space<vmem_shared>> -> memref<500x32xf32, #tpu.memory_space<vmem_shared>>
    tpu.enqueue_indirect_dma source(%dma_start3A_143 : memref<500x32xf32, #tpu.memory_space<vmem_shared>>) target(%arg7 : memref<1600x32xf32, #tpu.memory_space<vmem>>) offsets(%dma_start3A_140 : memref<1600xi32, #tpu.memory_space<vmem>>) semaphore(%arg10 : memref<!tpu.dma_semaphore, #tpu.memory_space<semaphore_mem>>)
    %dma_wait3A_144 = arith.constant 11200 : i32
    %dma_wait3A_145 = tpu.memref_slice %arg5[%dma_wait3A_144] : memref<25600xi32, #tpu.memory_space<vmem>> -> memref<1600xi32, #tpu.memory_space<vmem>>
    %dma_wait3A_146 = arith.constant 0 : i32
    %dma_wait3A_147 = arith.constant 0 : i32
    %dma_wait3A_148 = tpu.memref_slice %arg8[%dma_wait3A_146, %dma_wait3A_147] : memref<500x32xf32, #tpu.memory_space<vmem_shared>> -> memref<500x32xf32, #tpu.memory_space<vmem_shared>>
    tpu.wait_indirect_dma semaphore(%arg10 : memref<!tpu.dma_semaphore, #tpu.memory_space<semaphore_mem>>) src(%dma_wait3A_148 : memref<500x32xf32, #tpu.memory_space<vmem_shared>>) dst(%arg7 : memref<1600x32xf32, #tpu.memory_space<vmem>>)
    %add3A_149 = arith.constant 11200 : i32
    %add3A_150 = arith.addi %mul3A_2, %add3A_149 : i32
    %dma_start3A_151 = arith.constant 0 : i32
    %dma_start3A_152 = tpu.memref_slice %arg4[%add3A_150, %dma_start3A_151] : memref<819200x32xf32, #tpu.memory_space<hbm>> -> memref<1600x32xf32, #tpu.memory_space<hbm>>
    %dma_start3A_153 = arith.constant 0 : i32
    %dma_start3A_154 = tpu.memref_slice %arg4[%add3A_150, %dma_start3A_153] : memref<819200x32xf32, #tpu.memory_space<hbm>> -> memref<1600x32xf32, #tpu.memory_space<hbm>>
    tpu.enqueue_dma source(%arg7 : memref<1600x32xf32, #tpu.memory_space<vmem>>) target(%dma_start3A_154 : memref<1600x32xf32, #tpu.memory_space<hbm>>) target_semaphore(%arg12 : memref<!tpu.dma_semaphore, #tpu.memory_space<semaphore_mem>>)
    %dma_wait3A_155 = arith.constant 0 : i32
    %dma_wait3A_156 = tpu.memref_slice %arg4[%add3A_130, %dma_wait3A_155] : memref<819200x32xf32, #tpu.memory_space<hbm>> -> memref<1600x32xf32, #tpu.memory_space<hbm>>
    %dma_wait3A_157 = arith.constant 0 : i32
    %dma_wait3A_158 = tpu.memref_slice %arg4[%add3A_130, %dma_wait3A_157] : memref<819200x32xf32, #tpu.memory_space<hbm>> -> memref<1600x32xf32, #tpu.memory_space<hbm>>
    tpu.wait_dma2 semaphore(%arg11 : memref<!tpu.dma_semaphore, #tpu.memory_space<semaphore_mem>>) src(%arg6 : memref<1600x32xf32, #tpu.memory_space<vmem>>) dst(%dma_wait3A_158 : memref<1600x32xf32, #tpu.memory_space<hbm>>)
    %dma_start3A_159 = arith.constant 12800 : i32
    %dma_start3A_160 = tpu.memref_slice %arg5[%dma_start3A_159] : memref<25600xi32, #tpu.memory_space<vmem>> -> memref<1600xi32, #tpu.memory_space<vmem>>
    %dma_start3A_161 = arith.constant 0 : i32
    %dma_start3A_162 = arith.constant 0 : i32
    %dma_start3A_163 = tpu.memref_slice %arg8[%dma_start3A_161, %dma_start3A_162] : memref<500x32xf32, #tpu.memory_space<vmem_shared>> -> memref<500x32xf32, #tpu.memory_space<vmem_shared>>
    tpu.enqueue_indirect_dma source(%dma_start3A_163 : memref<500x32xf32, #tpu.memory_space<vmem_shared>>) target(%arg6 : memref<1600x32xf32, #tpu.memory_space<vmem>>) offsets(%dma_start3A_160 : memref<1600xi32, #tpu.memory_space<vmem>>) semaphore(%arg9 : memref<!tpu.dma_semaphore, #tpu.memory_space<semaphore_mem>>)
    %dma_wait3A_164 = arith.constant 12800 : i32
    %dma_wait3A_165 = tpu.memref_slice %arg5[%dma_wait3A_164] : memref<25600xi32, #tpu.memory_space<vmem>> -> memref<1600xi32, #tpu.memory_space<vmem>>
    %dma_wait3A_166 = arith.constant 0 : i32
    %dma_wait3A_167 = arith.constant 0 : i32
    %dma_wait3A_168 = tpu.memref_slice %arg8[%dma_wait3A_166, %dma_wait3A_167] : memref<500x32xf32, #tpu.memory_space<vmem_shared>> -> memref<500x32xf32, #tpu.memory_space<vmem_shared>>
    tpu.wait_indirect_dma semaphore(%arg9 : memref<!tpu.dma_semaphore, #tpu.memory_space<semaphore_mem>>) src(%dma_wait3A_168 : memref<500x32xf32, #tpu.memory_space<vmem_shared>>) dst(%arg6 : memref<1600x32xf32, #tpu.memory_space<vmem>>)
    %add3A_169 = arith.constant 12800 : i32
    %add3A_170 = arith.addi %mul3A_2, %add3A_169 : i32
    %dma_start3A_171 = arith.constant 0 : i32
    %dma_start3A_172 = tpu.memref_slice %arg4[%add3A_170, %dma_start3A_171] : memref<819200x32xf32, #tpu.memory_space<hbm>> -> memref<1600x32xf32, #tpu.memory_space<hbm>>
    %dma_start3A_173 = arith.constant 0 : i32
    %dma_start3A_174 = tpu.memref_slice %arg4[%add3A_170, %dma_start3A_173] : memref<819200x32xf32, #tpu.memory_space<hbm>> -> memref<1600x32xf32, #tpu.memory_space<hbm>>
    tpu.enqueue_dma source(%arg6 : memref<1600x32xf32, #tpu.memory_space<vmem>>) target(%dma_start3A_174 : memref<1600x32xf32, #tpu.memory_space<hbm>>) target_semaphore(%arg11 : memref<!tpu.dma_semaphore, #tpu.memory_space<semaphore_mem>>)
    %dma_wait3A_175 = arith.constant 0 : i32
    %dma_wait3A_176 = tpu.memref_slice %arg4[%add3A_150, %dma_wait3A_175] : memref<819200x32xf32, #tpu.memory_space<hbm>> -> memref<1600x32xf32, #tpu.memory_space<hbm>>
    %dma_wait3A_177 = arith.constant 0 : i32
    %dma_wait3A_178 = tpu.memref_slice %arg4[%add3A_150, %dma_wait3A_177] : memref<819200x32xf32, #tpu.memory_space<hbm>> -> memref<1600x32xf32, #tpu.memory_space<hbm>>
    tpu.wait_dma2 semaphore(%arg12 : memref<!tpu.dma_semaphore, #tpu.memory_space<semaphore_mem>>) src(%arg7 : memref<1600x32xf32, #tpu.memory_space<vmem>>) dst(%dma_wait3A_178 : memref<1600x32xf32, #tpu.memory_space<hbm>>)
    %dma_start3A_179 = arith.constant 14400 : i32
    %dma_start3A_180 = tpu.memref_slice %arg5[%dma_start3A_179] : memref<25600xi32, #tpu.memory_space<vmem>> -> memref<1600xi32, #tpu.memory_space<vmem>>
    %dma_start3A_181 = arith.constant 0 : i32
    %dma_start3A_182 = arith.constant 0 : i32
    %dma_start3A_183 = tpu.memref_slice %arg8[%dma_start3A_181, %dma_start3A_182] : memref<500x32xf32, #tpu.memory_space<vmem_shared>> -> memref<500x32xf32, #tpu.memory_space<vmem_shared>>
    tpu.enqueue_indirect_dma source(%dma_start3A_183 : memref<500x32xf32, #tpu.memory_space<vmem_shared>>) target(%arg7 : memref<1600x32xf32, #tpu.memory_space<vmem>>) offsets(%dma_start3A_180 : memref<1600xi32, #tpu.memory_space<vmem>>) semaphore(%arg10 : memref<!tpu.dma_semaphore, #tpu.memory_space<semaphore_mem>>)
    %dma_wait3A_184 = arith.constant 14400 : i32
    %dma_wait3A_185 = tpu.memref_slice %arg5[%dma_wait3A_184] : memref<25600xi32, #tpu.memory_space<vmem>> -> memref<1600xi32, #tpu.memory_space<vmem>>
    %dma_wait3A_186 = arith.constant 0 : i32
    %dma_wait3A_187 = arith.constant 0 : i32
    %dma_wait3A_188 = tpu.memref_slice %arg8[%dma_wait3A_186, %dma_wait3A_187] : memref<500x32xf32, #tpu.memory_space<vmem_shared>> -> memref<500x32xf32, #tpu.memory_space<vmem_shared>>
    tpu.wait_indirect_dma semaphore(%arg10 : memref<!tpu.dma_semaphore, #tpu.memory_space<semaphore_mem>>) src(%dma_wait3A_188 : memref<500x32xf32, #tpu.memory_space<vmem_shared>>) dst(%arg7 : memref<1600x32xf32, #tpu.memory_space<vmem>>)
    %add3A_189 = arith.constant 14400 : i32
    %add3A_190 = arith.addi %mul3A_2, %add3A_189 : i32
    %dma_start3A_191 = arith.constant 0 : i32
    %dma_start3A_192 = tpu.memref_slice %arg4[%add3A_190, %dma_start3A_191] : memref<819200x32xf32, #tpu.memory_space<hbm>> -> memref<1600x32xf32, #tpu.memory_space<hbm>>
    %dma_start3A_193 = arith.constant 0 : i32
    %dma_start3A_194 = tpu.memref_slice %arg4[%add3A_190, %dma_start3A_193] : memref<819200x32xf32, #tpu.memory_space<hbm>> -> memref<1600x32xf32, #tpu.memory_space<hbm>>
    tpu.enqueue_dma source(%arg7 : memref<1600x32xf32, #tpu.memory_space<vmem>>) target(%dma_start3A_194 : memref<1600x32xf32, #tpu.memory_space<hbm>>) target_semaphore(%arg12 : memref<!tpu.dma_semaphore, #tpu.memory_space<semaphore_mem>>)
    %dma_wait3A_195 = arith.constant 0 : i32
    %dma_wait3A_196 = tpu.memref_slice %arg4[%add3A_170, %dma_wait3A_195] : memref<819200x32xf32, #tpu.memory_space<hbm>> -> memref<1600x32xf32, #tpu.memory_space<hbm>>
    %dma_wait3A_197 = arith.constant 0 : i32
    %dma_wait3A_198 = tpu.memref_slice %arg4[%add3A_170, %dma_wait3A_197] : memref<819200x32xf32, #tpu.memory_space<hbm>> -> memref<1600x32xf32, #tpu.memory_space<hbm>>
    tpu.wait_dma2 semaphore(%arg11 : memref<!tpu.dma_semaphore, #tpu.memory_space<semaphore_mem>>) src(%arg6 : memref<1600x32xf32, #tpu.memory_space<vmem>>) dst(%dma_wait3A_198 : memref<1600x32xf32, #tpu.memory_space<hbm>>)
    %dma_start3A_199 = arith.constant 16000 : i32
    %dma_start3A_200 = tpu.memref_slice %arg5[%dma_start3A_199] : memref<25600xi32, #tpu.memory_space<vmem>> -> memref<1600xi32, #tpu.memory_space<vmem>>
    %dma_start3A_201 = arith.constant 0 : i32
    %dma_start3A_202 = arith.constant 0 : i32
    %dma_start3A_203 = tpu.memref_slice %arg8[%dma_start3A_201, %dma_start3A_202] : memref<500x32xf32, #tpu.memory_space<vmem_shared>> -> memref<500x32xf32, #tpu.memory_space<vmem_shared>>
    tpu.enqueue_indirect_dma source(%dma_start3A_203 : memref<500x32xf32, #tpu.memory_space<vmem_shared>>) target(%arg6 : memref<1600x32xf32, #tpu.memory_space<vmem>>) offsets(%dma_start3A_200 : memref<1600xi32, #tpu.memory_space<vmem>>) semaphore(%arg9 : memref<!tpu.dma_semaphore, #tpu.memory_space<semaphore_mem>>)
    %dma_wait3A_204 = arith.constant 16000 : i32
    %dma_wait3A_205 = tpu.memref_slice %arg5[%dma_wait3A_204] : memref<25600xi32, #tpu.memory_space<vmem>> -> memref<1600xi32, #tpu.memory_space<vmem>>
    %dma_wait3A_206 = arith.constant 0 : i32
    %dma_wait3A_207 = arith.constant 0 : i32
    %dma_wait3A_208 = tpu.memref_slice %arg8[%dma_wait3A_206, %dma_wait3A_207] : memref<500x32xf32, #tpu.memory_space<vmem_shared>> -> memref<500x32xf32, #tpu.memory_space<vmem_shared>>
    tpu.wait_indirect_dma semaphore(%arg9 : memref<!tpu.dma_semaphore, #tpu.memory_space<semaphore_mem>>) src(%dma_wait3A_208 : memref<500x32xf32, #tpu.memory_space<vmem_shared>>) dst(%arg6 : memref<1600x32xf32, #tpu.memory_space<vmem>>)
    %add3A_209 = arith.constant 16000 : i32
    %add3A_210 = arith.addi %mul3A_2, %add3A_209 : i32
    %dma_start3A_211 = arith.constant 0 : i32
    %dma_start3A_212 = tpu.memref_slice %arg4[%add3A_210, %dma_start3A_211] : memref<819200x32xf32, #tpu.memory_space<hbm>> -> memref<1600x32xf32, #tpu.memory_space<hbm>>
    %dma_start3A_213 = arith.constant 0 : i32
    %dma_start3A_214 = tpu.memref_slice %arg4[%add3A_210, %dma_start3A_213] : memref<819200x32xf32, #tpu.memory_space<hbm>> -> memref<1600x32xf32, #tpu.memory_space<hbm>>
    tpu.enqueue_dma source(%arg6 : memref<1600x32xf32, #tpu.memory_space<vmem>>) target(%dma_start3A_214 : memref<1600x32xf32, #tpu.memory_space<hbm>>) target_semaphore(%arg11 : memref<!tpu.dma_semaphore, #tpu.memory_space<semaphore_mem>>)
    %dma_wait3A_215 = arith.constant 0 : i32
    %dma_wait3A_216 = tpu.memref_slice %arg4[%add3A_190, %dma_wait3A_215] : memref<819200x32xf32, #tpu.memory_space<hbm>> -> memref<1600x32xf32, #tpu.memory_space<hbm>>
    %dma_wait3A_217 = arith.constant 0 : i32
    %dma_wait3A_218 = tpu.memref_slice %arg4[%add3A_190, %dma_wait3A_217] : memref<819200x32xf32, #tpu.memory_space<hbm>> -> memref<1600x32xf32, #tpu.memory_space<hbm>>
    tpu.wait_dma2 semaphore(%arg12 : memref<!tpu.dma_semaphore, #tpu.memory_space<semaphore_mem>>) src(%arg7 : memref<1600x32xf32, #tpu.memory_space<vmem>>) dst(%dma_wait3A_218 : memref<1600x32xf32, #tpu.memory_space<hbm>>)
    %dma_start3A_219 = arith.constant 17600 : i32
    %dma_start3A_220 = tpu.memref_slice %arg5[%dma_start3A_219] : memref<25600xi32, #tpu.memory_space<vmem>> -> memref<1600xi32, #tpu.memory_space<vmem>>
    %dma_start3A_221 = arith.constant 0 : i32
    %dma_start3A_222 = arith.constant 0 : i32
    %dma_start3A_223 = tpu.memref_slice %arg8[%dma_start3A_221, %dma_start3A_222] : memref<500x32xf32, #tpu.memory_space<vmem_shared>> -> memref<500x32xf32, #tpu.memory_space<vmem_shared>>
    tpu.enqueue_indirect_dma source(%dma_start3A_223 : memref<500x32xf32, #tpu.memory_space<vmem_shared>>) target(%arg7 : memref<1600x32xf32, #tpu.memory_space<vmem>>) offsets(%dma_start3A_220 : memref<1600xi32, #tpu.memory_space<vmem>>) semaphore(%arg10 : memref<!tpu.dma_semaphore, #tpu.memory_space<semaphore_mem>>)
    %dma_wait3A_224 = arith.constant 17600 : i32
    %dma_wait3A_225 = tpu.memref_slice %arg5[%dma_wait3A_224] : memref<25600xi32, #tpu.memory_space<vmem>> -> memref<1600xi32, #tpu.memory_space<vmem>>
    %dma_wait3A_226 = arith.constant 0 : i32
    %dma_wait3A_227 = arith.constant 0 : i32
    %dma_wait3A_228 = tpu.memref_slice %arg8[%dma_wait3A_226, %dma_wait3A_227] : memref<500x32xf32, #tpu.memory_space<vmem_shared>> -> memref<500x32xf32, #tpu.memory_space<vmem_shared>>
    tpu.wait_indirect_dma semaphore(%arg10 : memref<!tpu.dma_semaphore, #tpu.memory_space<semaphore_mem>>) src(%dma_wait3A_228 : memref<500x32xf32, #tpu.memory_space<vmem_shared>>) dst(%arg7 : memref<1600x32xf32, #tpu.memory_space<vmem>>)
    %add3A_229 = arith.constant 17600 : i32
    %add3A_230 = arith.addi %mul3A_2, %add3A_229 : i32
    %dma_start3A_231 = arith.constant 0 : i32
    %dma_start3A_232 = tpu.memref_slice %arg4[%add3A_230, %dma_start3A_231] : memref<819200x32xf32, #tpu.memory_space<hbm>> -> memref<1600x32xf32, #tpu.memory_space<hbm>>
    %dma_start3A_233 = arith.constant 0 : i32
    %dma_start3A_234 = tpu.memref_slice %arg4[%add3A_230, %dma_start3A_233] : memref<819200x32xf32, #tpu.memory_space<hbm>> -> memref<1600x32xf32, #tpu.memory_space<hbm>>
    tpu.enqueue_dma source(%arg7 : memref<1600x32xf32, #tpu.memory_space<vmem>>) target(%dma_start3A_234 : memref<1600x32xf32, #tpu.memory_space<hbm>>) target_semaphore(%arg12 : memref<!tpu.dma_semaphore, #tpu.memory_space<semaphore_mem>>)
    %dma_wait3A_235 = arith.constant 0 : i32
    %dma_wait3A_236 = tpu.memref_slice %arg4[%add3A_210, %dma_wait3A_235] : memref<819200x32xf32, #tpu.memory_space<hbm>> -> memref<1600x32xf32, #tpu.memory_space<hbm>>
    %dma_wait3A_237 = arith.constant 0 : i32
    %dma_wait3A_238 = tpu.memref_slice %arg4[%add3A_210, %dma_wait3A_237] : memref<819200x32xf32, #tpu.memory_space<hbm>> -> memref<1600x32xf32, #tpu.memory_space<hbm>>
    tpu.wait_dma2 semaphore(%arg11 : memref<!tpu.dma_semaphore, #tpu.memory_space<semaphore_mem>>) src(%arg6 : memref<1600x32xf32, #tpu.memory_space<vmem>>) dst(%dma_wait3A_238 : memref<1600x32xf32, #tpu.memory_space<hbm>>)
    %dma_start3A_239 = arith.constant 19200 : i32
    %dma_start3A_240 = tpu.memref_slice %arg5[%dma_start3A_239] : memref<25600xi32, #tpu.memory_space<vmem>> -> memref<1600xi32, #tpu.memory_space<vmem>>
    %dma_start3A_241 = arith.constant 0 : i32
    %dma_start3A_242 = arith.constant 0 : i32
    %dma_start3A_243 = tpu.memref_slice %arg8[%dma_start3A_241, %dma_start3A_242] : memref<500x32xf32, #tpu.memory_space<vmem_shared>> -> memref<500x32xf32, #tpu.memory_space<vmem_shared>>
    tpu.enqueue_indirect_dma source(%dma_start3A_243 : memref<500x32xf32, #tpu.memory_space<vmem_shared>>) target(%arg6 : memref<1600x32xf32, #tpu.memory_space<vmem>>) offsets(%dma_start3A_240 : memref<1600xi32, #tpu.memory_space<vmem>>) semaphore(%arg9 : memref<!tpu.dma_semaphore, #tpu.memory_space<semaphore_mem>>)
    %dma_wait3A_244 = arith.constant 19200 : i32
    %dma_wait3A_245 = tpu.memref_slice %arg5[%dma_wait3A_244] : memref<25600xi32, #tpu.memory_space<vmem>> -> memref<1600xi32, #tpu.memory_space<vmem>>
    %dma_wait3A_246 = arith.constant 0 : i32
    %dma_wait3A_247 = arith.constant 0 : i32
    %dma_wait3A_248 = tpu.memref_slice %arg8[%dma_wait3A_246, %dma_wait3A_247] : memref<500x32xf32, #tpu.memory_space<vmem_shared>> -> memref<500x32xf32, #tpu.memory_space<vmem_shared>>
    tpu.wait_indirect_dma semaphore(%arg9 : memref<!tpu.dma_semaphore, #tpu.memory_space<semaphore_mem>>) src(%dma_wait3A_248 : memref<500x32xf32, #tpu.memory_space<vmem_shared>>) dst(%arg6 : memref<1600x32xf32, #tpu.memory_space<vmem>>)
    %add3A_249 = arith.constant 19200 : i32
    %add3A_250 = arith.addi %mul3A_2, %add3A_249 : i32
    %dma_start3A_251 = arith.constant 0 : i32
    %dma_start3A_252 = tpu.memref_slice %arg4[%add3A_250, %dma_start3A_251] : memref<819200x32xf32, #tpu.memory_space<hbm>> -> memref<1600x32xf32, #tpu.memory_space<hbm>>
    %dma_start3A_253 = arith.constant 0 : i32
    %dma_start3A_254 = tpu.memref_slice %arg4[%add3A_250, %dma_start3A_253] : memref<819200x32xf32, #tpu.memory_space<hbm>> -> memref<1600x32xf32, #tpu.memory_space<hbm>>
    tpu.enqueue_dma source(%arg6 : memref<1600x32xf32, #tpu.memory_space<vmem>>) target(%dma_start3A_254 : memref<1600x32xf32, #tpu.memory_space<hbm>>) target_semaphore(%arg11 : memref<!tpu.dma_semaphore, #tpu.memory_space<semaphore_mem>>)
    %dma_wait3A_255 = arith.constant 0 : i32
    %dma_wait3A_256 = tpu.memref_slice %arg4[%add3A_230, %dma_wait3A_255] : memref<819200x32xf32, #tpu.memory_space<hbm>> -> memref<1600x32xf32, #tpu.memory_space<hbm>>
    %dma_wait3A_257 = arith.constant 0 : i32
    %dma_wait3A_258 = tpu.memref_slice %arg4[%add3A_230, %dma_wait3A_257] : memref<819200x32xf32, #tpu.memory_space<hbm>> -> memref<1600x32xf32, #tpu.memory_space<hbm>>
    tpu.wait_dma2 semaphore(%arg12 : memref<!tpu.dma_semaphore, #tpu.memory_space<semaphore_mem>>) src(%arg7 : memref<1600x32xf32, #tpu.memory_space<vmem>>) dst(%dma_wait3A_258 : memref<1600x32xf32, #tpu.memory_space<hbm>>)
    %dma_start3A_259 = arith.constant 20800 : i32
    %dma_start3A_260 = tpu.memref_slice %arg5[%dma_start3A_259] : memref<25600xi32, #tpu.memory_space<vmem>> -> memref<1600xi32, #tpu.memory_space<vmem>>
    %dma_start3A_261 = arith.constant 0 : i32
    %dma_start3A_262 = arith.constant 0 : i32
    %dma_start3A_263 = tpu.memref_slice %arg8[%dma_start3A_261, %dma_start3A_262] : memref<500x32xf32, #tpu.memory_space<vmem_shared>> -> memref<500x32xf32, #tpu.memory_space<vmem_shared>>
    tpu.enqueue_indirect_dma source(%dma_start3A_263 : memref<500x32xf32, #tpu.memory_space<vmem_shared>>) target(%arg7 : memref<1600x32xf32, #tpu.memory_space<vmem>>) offsets(%dma_start3A_260 : memref<1600xi32, #tpu.memory_space<vmem>>) semaphore(%arg10 : memref<!tpu.dma_semaphore, #tpu.memory_space<semaphore_mem>>)
    %dma_wait3A_264 = arith.constant 20800 : i32
    %dma_wait3A_265 = tpu.memref_slice %arg5[%dma_wait3A_264] : memref<25600xi32, #tpu.memory_space<vmem>> -> memref<1600xi32, #tpu.memory_space<vmem>>
    %dma_wait3A_266 = arith.constant 0 : i32
    %dma_wait3A_267 = arith.constant 0 : i32
    %dma_wait3A_268 = tpu.memref_slice %arg8[%dma_wait3A_266, %dma_wait3A_267] : memref<500x32xf32, #tpu.memory_space<vmem_shared>> -> memref<500x32xf32, #tpu.memory_space<vmem_shared>>
    tpu.wait_indirect_dma semaphore(%arg10 : memref<!tpu.dma_semaphore, #tpu.memory_space<semaphore_mem>>) src(%dma_wait3A_268 : memref<500x32xf32, #tpu.memory_space<vmem_shared>>) dst(%arg7 : memref<1600x32xf32, #tpu.memory_space<vmem>>)
    %add3A_269 = arith.constant 20800 : i32
    %add3A_270 = arith.addi %mul3A_2, %add3A_269 : i32
    %dma_start3A_271 = arith.constant 0 : i32
    %dma_start3A_272 = tpu.memref_slice %arg4[%add3A_270, %dma_start3A_271] : memref<819200x32xf32, #tpu.memory_space<hbm>> -> memref<1600x32xf32, #tpu.memory_space<hbm>>
    %dma_start3A_273 = arith.constant 0 : i32
    %dma_start3A_274 = tpu.memref_slice %arg4[%add3A_270, %dma_start3A_273] : memref<819200x32xf32, #tpu.memory_space<hbm>> -> memref<1600x32xf32, #tpu.memory_space<hbm>>
    tpu.enqueue_dma source(%arg7 : memref<1600x32xf32, #tpu.memory_space<vmem>>) target(%dma_start3A_274 : memref<1600x32xf32, #tpu.memory_space<hbm>>) target_semaphore(%arg12 : memref<!tpu.dma_semaphore, #tpu.memory_space<semaphore_mem>>)
    %dma_wait3A_275 = arith.constant 0 : i32
    %dma_wait3A_276 = tpu.memref_slice %arg4[%add3A_250, %dma_wait3A_275] : memref<819200x32xf32, #tpu.memory_space<hbm>> -> memref<1600x32xf32, #tpu.memory_space<hbm>>
    %dma_wait3A_277 = arith.constant 0 : i32
    %dma_wait3A_278 = tpu.memref_slice %arg4[%add3A_250, %dma_wait3A_277] : memref<819200x32xf32, #tpu.memory_space<hbm>> -> memref<1600x32xf32, #tpu.memory_space<hbm>>
    tpu.wait_dma2 semaphore(%arg11 : memref<!tpu.dma_semaphore, #tpu.memory_space<semaphore_mem>>) src(%arg6 : memref<1600x32xf32, #tpu.memory_space<vmem>>) dst(%dma_wait3A_278 : memref<1600x32xf32, #tpu.memory_space<hbm>>)
    %dma_start3A_279 = arith.constant 22400 : i32
    %dma_start3A_280 = tpu.memref_slice %arg5[%dma_start3A_279] : memref<25600xi32, #tpu.memory_space<vmem>> -> memref<1600xi32, #tpu.memory_space<vmem>>
    %dma_start3A_281 = arith.constant 0 : i32
    %dma_start3A_282 = arith.constant 0 : i32
    %dma_start3A_283 = tpu.memref_slice %arg8[%dma_start3A_281, %dma_start3A_282] : memref<500x32xf32, #tpu.memory_space<vmem_shared>> -> memref<500x32xf32, #tpu.memory_space<vmem_shared>>
    tpu.enqueue_indirect_dma source(%dma_start3A_283 : memref<500x32xf32, #tpu.memory_space<vmem_shared>>) target(%arg6 : memref<1600x32xf32, #tpu.memory_space<vmem>>) offsets(%dma_start3A_280 : memref<1600xi32, #tpu.memory_space<vmem>>) semaphore(%arg9 : memref<!tpu.dma_semaphore, #tpu.memory_space<semaphore_mem>>)
    %dma_wait3A_284 = arith.constant 22400 : i32
    %dma_wait3A_285 = tpu.memref_slice %arg5[%dma_wait3A_284] : memref<25600xi32, #tpu.memory_space<vmem>> -> memref<1600xi32, #tpu.memory_space<vmem>>
    %dma_wait3A_286 = arith.constant 0 : i32
    %dma_wait3A_287 = arith.constant 0 : i32
    %dma_wait3A_288 = tpu.memref_slice %arg8[%dma_wait3A_286, %dma_wait3A_287] : memref<500x32xf32, #tpu.memory_space<vmem_shared>> -> memref<500x32xf32, #tpu.memory_space<vmem_shared>>
    tpu.wait_indirect_dma semaphore(%arg9 : memref<!tpu.dma_semaphore, #tpu.memory_space<semaphore_mem>>) src(%dma_wait3A_288 : memref<500x32xf32, #tpu.memory_space<vmem_shared>>) dst(%arg6 : memref<1600x32xf32, #tpu.memory_space<vmem>>)
    %add3A_289 = arith.constant 22400 : i32
    %add3A_290 = arith.addi %mul3A_2, %add3A_289 : i32
    %dma_start3A_291 = arith.constant 0 : i32
    %dma_start3A_292 = tpu.memref_slice %arg4[%add3A_290, %dma_start3A_291] : memref<819200x32xf32, #tpu.memory_space<hbm>> -> memref<1600x32xf32, #tpu.memory_space<hbm>>
    %dma_start3A_293 = arith.constant 0 : i32
    %dma_start3A_294 = tpu.memref_slice %arg4[%add3A_290, %dma_start3A_293] : memref<819200x32xf32, #tpu.memory_space<hbm>> -> memref<1600x32xf32, #tpu.memory_space<hbm>>
    tpu.enqueue_dma source(%arg6 : memref<1600x32xf32, #tpu.memory_space<vmem>>) target(%dma_start3A_294 : memref<1600x32xf32, #tpu.memory_space<hbm>>) target_semaphore(%arg11 : memref<!tpu.dma_semaphore, #tpu.memory_space<semaphore_mem>>)
    %dma_wait3A_295 = arith.constant 0 : i32
    %dma_wait3A_296 = tpu.memref_slice %arg4[%add3A_270, %dma_wait3A_295] : memref<819200x32xf32, #tpu.memory_space<hbm>> -> memref<1600x32xf32, #tpu.memory_space<hbm>>
    %dma_wait3A_297 = arith.constant 0 : i32
    %dma_wait3A_298 = tpu.memref_slice %arg4[%add3A_270, %dma_wait3A_297] : memref<819200x32xf32, #tpu.memory_space<hbm>> -> memref<1600x32xf32, #tpu.memory_space<hbm>>
    tpu.wait_dma2 semaphore(%arg12 : memref<!tpu.dma_semaphore, #tpu.memory_space<semaphore_mem>>) src(%arg7 : memref<1600x32xf32, #tpu.memory_space<vmem>>) dst(%dma_wait3A_298 : memref<1600x32xf32, #tpu.memory_space<hbm>>)
    %dma_start3A_299 = arith.constant 24000 : i32
    %dma_start3A_300 = tpu.memref_slice %arg5[%dma_start3A_299] : memref<25600xi32, #tpu.memory_space<vmem>> -> memref<1600xi32, #tpu.memory_space<vmem>>
    %dma_start3A_301 = arith.constant 0 : i32
    %dma_start3A_302 = arith.constant 0 : i32
    %dma_start3A_303 = tpu.memref_slice %arg8[%dma_start3A_301, %dma_start3A_302] : memref<500x32xf32, #tpu.memory_space<vmem_shared>> -> memref<500x32xf32, #tpu.memory_space<vmem_shared>>
    tpu.enqueue_indirect_dma source(%dma_start3A_303 : memref<500x32xf32, #tpu.memory_space<vmem_shared>>) target(%arg7 : memref<1600x32xf32, #tpu.memory_space<vmem>>) offsets(%dma_start3A_300 : memref<1600xi32, #tpu.memory_space<vmem>>) semaphore(%arg10 : memref<!tpu.dma_semaphore, #tpu.memory_space<semaphore_mem>>)
    %dma_wait3A_304 = arith.constant 24000 : i32
    %dma_wait3A_305 = tpu.memref_slice %arg5[%dma_wait3A_304] : memref<25600xi32, #tpu.memory_space<vmem>> -> memref<1600xi32, #tpu.memory_space<vmem>>
    %dma_wait3A_306 = arith.constant 0 : i32
    %dma_wait3A_307 = arith.constant 0 : i32
    %dma_wait3A_308 = tpu.memref_slice %arg8[%dma_wait3A_306, %dma_wait3A_307] : memref<500x32xf32, #tpu.memory_space<vmem_shared>> -> memref<500x32xf32, #tpu.memory_space<vmem_shared>>
    tpu.wait_indirect_dma semaphore(%arg10 : memref<!tpu.dma_semaphore, #tpu.memory_space<semaphore_mem>>) src(%dma_wait3A_308 : memref<500x32xf32, #tpu.memory_space<vmem_shared>>) dst(%arg7 : memref<1600x32xf32, #tpu.memory_space<vmem>>)
    %add3A_309 = arith.constant 24000 : i32
    %add3A_310 = arith.addi %mul3A_2, %add3A_309 : i32
    %dma_start3A_311 = arith.constant 0 : i32
    %dma_start3A_312 = tpu.memref_slice %arg4[%add3A_310, %dma_start3A_311] : memref<819200x32xf32, #tpu.memory_space<hbm>> -> memref<1600x32xf32, #tpu.memory_space<hbm>>
    %dma_start3A_313 = arith.constant 0 : i32
    %dma_start3A_314 = tpu.memref_slice %arg4[%add3A_310, %dma_start3A_313] : memref<819200x32xf32, #tpu.memory_space<hbm>> -> memref<1600x32xf32, #tpu.memory_space<hbm>>
    tpu.enqueue_dma source(%arg7 : memref<1600x32xf32, #tpu.memory_space<vmem>>) target(%dma_start3A_314 : memref<1600x32xf32, #tpu.memory_space<hbm>>) target_semaphore(%arg12 : memref<!tpu.dma_semaphore, #tpu.memory_space<semaphore_mem>>)
    %dma_wait3A_315 = arith.constant 0 : i32
    %dma_wait3A_316 = tpu.memref_slice %arg4[%add3A_290, %dma_wait3A_315] : memref<819200x32xf32, #tpu.memory_space<hbm>> -> memref<1600x32xf32, #tpu.memory_space<hbm>>
    %dma_wait3A_317 = arith.constant 0 : i32
    %dma_wait3A_318 = tpu.memref_slice %arg4[%add3A_290, %dma_wait3A_317] : memref<819200x32xf32, #tpu.memory_space<hbm>> -> memref<1600x32xf32, #tpu.memory_space<hbm>>
    tpu.wait_dma2 semaphore(%arg11 : memref<!tpu.dma_semaphore, #tpu.memory_space<semaphore_mem>>) src(%arg6 : memref<1600x32xf32, #tpu.memory_space<vmem>>) dst(%dma_wait3A_318 : memref<1600x32xf32, #tpu.memory_space<hbm>>)
    %dma_wait3A_319 = arith.constant 0 : i32
    %dma_wait3A_320 = tpu.memref_slice %arg4[%add3A_310, %dma_wait3A_319] : memref<819200x32xf32, #tpu.memory_space<hbm>> -> memref<1600x32xf32, #tpu.memory_space<hbm>>
    %dma_wait3A_321 = arith.constant 0 : i32
    %dma_wait3A_322 = tpu.memref_slice %arg4[%add3A_310, %dma_wait3A_321] : memref<819200x32xf32, #tpu.memory_space<hbm>> -> memref<1600x32xf32, #tpu.memory_space<hbm>>
    tpu.wait_dma2 semaphore(%arg12 : memref<!tpu.dma_semaphore, #tpu.memory_space<semaphore_mem>>) src(%arg7 : memref<1600x32xf32, #tpu.memory_space<vmem>>) dst(%dma_wait3A_322 : memref<1600x32xf32, #tpu.memory_space<hbm>>)
    return
  }
}

module attributes {stable_mosaic.version = 14 : i64} {
  func.func @_table_body(%arg0: memref<500x100xf32, #tpu.memory_space<vmem>>, %arg1: memref<30x100xf32, #tpu.memory_space<vmem>>, %arg2: memref<1x30xf32, #tpu.memory_space<vmem>>, %arg3: memref<500x32xf32, #tpu.memory_space<vmem>>) attributes {dimension_semantics = [], scalar_prefetch = 0 : i64, scratch_operands = 0 : i64, tpu.core_type = #tpu.core_type<tc>} {
    %get3A = arith.constant 0 : index
    %get3A_0 = arith.constant 0 : index
    %get3A_1 = vector.load %arg0[%get3A, %get3A_0] : memref<500x100xf32, #tpu.memory_space<vmem>>, vector<500x100xf32>
    %get3A_2 = arith.constant 0 : index
    %get3A_3 = arith.constant 0 : index
    %get3A_4 = vector.load %arg1[%get3A_2, %get3A_3] : memref<30x100xf32, #tpu.memory_space<vmem>>, vector<30x100xf32>
    %dot_general3A = arith.constant dense<0.000000e+00> : vector<500x30xf32>
    %dot_general3A_5 = tpu.matmul %get3A_1, %get3A_4, %dot_general3A {dimension_numbers = #tpu.dot_dimension_numbers<[1], [1], [0], [0], [0, 0, 1, 0], [], []>, transpose_lhs_hint = false} : vector<500x100xf32>, vector<30x100xf32>, vector<500x30xf32> -> vector<500x30xf32>
    %get3A_6 = arith.constant 0 : index
    %get3A_7 = arith.constant 0 : index
    %get3A_8 = vector.load %arg2[%get3A_6, %get3A_7] : memref<1x30xf32, #tpu.memory_space<vmem>>, vector<1x30xf32>
    %add3A = vector.broadcast %get3A_8 : vector<1x30xf32> to vector<500x30xf32>
    %add3A_9 = arith.addf %dot_general3A_5, %add3A : vector<500x30xf32>
    %tanh3A = math.tanh %add3A_9 : vector<500x30xf32>
    %swap3A = arith.constant 0 : index
    %swap3A_10 = arith.constant 0 : index
    %swap3A_11 = vector.load %arg3[%swap3A, %swap3A_10] : memref<500x32xf32, #tpu.memory_space<vmem>>, vector<500x30xf32>
    tpu.vector_store %arg3[%swap3A, %swap3A_10], %tanh3A {strides = array<i32>} : memref<500x32xf32, #tpu.memory_space<vmem>>, vector<500x30xf32>,
    %broadcast_in_dim3A = arith.constant 0.000000e+00 : f32
    %broadcast_in_dim3A_12 = vector.broadcast %broadcast_in_dim3A : f32 to vector<500x2xf32>
    %swap3A_13 = arith.constant 0 : index
    %swap3A_14 = arith.constant 30 : index
    %swap3A_15 = vector.load %arg3[%swap3A_13, %swap3A_14] : memref<500x32xf32, #tpu.memory_space<vmem>>, vector<500x2xf32>
    tpu.vector_store %arg3[%swap3A_13, %swap3A_14], %broadcast_in_dim3A_12 {strides = array<i32>} : memref<500x32xf32, #tpu.memory_space<vmem>>, vector<500x2xf32>,
    return
  }
}

</mosaic_0001>

<sc_bundles>
// kernel: kernel.4.cloned.1.call-start
scs
__scs_entry_jumppad:
0x0: {  	(pc) =	sbr.rel $0x88, $3  }
0x1: {  	(tag) =	ssettag $0x0;
	lr =	simm.s32 $0x1  }
0x2: {  	[smem:$0x3F9D] =	sst lr;
	_ =	strace $0xD0000000  }
0x3: {  	_ = 	snop  }
0x4: {  	_ = 	snop  }
0x5: {  	_ = 	snop  }
0x6: {  	_ = 	snop  }
0x7: {  	_ = 	snop  }
__scs_overlays_trampoline_lowered:
0x8: {  	[smem:$0x3FAC] =	sst s0  }
0x9: {  	[smem:$0x3FAD] =	sst s1  }
0xa: {  	[smem:$0x3FAE] =	sst s2  }
0xb: {  	[smem:$0x3FAF] =	sst s3  }
0xc: {  	[smem:$0x3FB0] =	sst s4  }
0xd: {  	[smem:$0x3FB1] =	sst s5  }
0xe: {  	[smem:$0x3FB2] =	sst s6  }
0xf: {  	[smem:$0x3FB3] =	sst s7  }
0x10: {  	[smem:$0x3FB4] =	sst s8  }
0x11: {  	[smem:$0x3FB5] =	sst s9;
	s0 =	simm.s32 @!p0 $0x0  }
0x12: {  	s1 =	sld [smem:$0x3F9B];
	s0 =	simm.s32 @p0 $0x1  }
0x13: {  	[smem:$0x3FB6] =	sst s0;
	s0 =	simm.s32 @!p1 $0x0  }
0x14: {  	s2 =	sld [smem:$0x3F9A];
	s0 =	simm.s32 @p1 $0x1  }
0x15: {  	[smem:$0x3FB7] =	sst s0;
	s0 =	simm.s32 @!p2 $0x0  }
0x16: {  	s3 =	sld [smem:$0x3FDB];
	s0 =	simm.s32 @p2 $0x1  }
0x17: {  	s4 =	simm.s32 $0x1BF5;
	[smem:$0x3FB9] =	sst s0  }
0x18: {  	s0 =	sld [smem:$0x3F9C];
	_ =	swait.ge [sflag:s4], $0x0  }
0x19: {  	s7 =	sld [smem:$0x3F9D]  }
0x1a: {  	s8 =	sadd.s32 $0xFFFFE003, lr  }
0x1b: {  	s9 =	sadd.s32 $0xFFFFFEF7, lr;
	s5 =	simm.s32 $0xFFFFFFFF;
	p2 =	slt.u32 s8, $0xFFFFF086  }
0x1c: {  	p1 =	slt.u32 s9, $0xF7A;
	s5 =	simm.s32 @!p2 $0x0  }
0x1d: {  	s5 =	simm.s32 @p1 $0x1;
	p0 =	seq.s32 s7, s2  }
0x1e: {  	s7 =	smul.u32 @!p0 $0xF7A, s2;
	p2 =	seq.s32 @!p0 s5, $0x0  }
0x1f: {  	s9 =	smul.u32 $0xF7A, s1;
	s8 =	simm.s32 @!p0 $0x1BF5;
	p2 =	por !p2, p0  }
0x20: {  	[sflag:s8] =	ssyncset.s32 @!p0 $0xFFFFF086;
	s6 =	sadd.s32 @!p0 s3, s7;
	s7 =	simm.s32 @!p0 $0x108  }
0x21: {  	s3 =	sadd.s32 s3, s9;
	s6 =	sadd.s32 @!p0 $0x88, s6;
	s7 =	simm.s32 @p2 $0x1082  }
0x22: {  	[simem:s7], [sflag:s8] =	dma.local @!p0 [hbm:s6], $0xF7A  }
0x23: {  	s9 =	sor.u32 $0xD0000000, s2;
	s6 =	simm.s32 $0x108;
	_ =	swait.ge @!p0 [sflag:s8], $0x0  }
0x24: {  	s3 =	sadd.s32 $0x88, s3;
	s6 =	simm.s32 @!p1 $0x1082;
	[sflag:s4] =	ssyncset.s32 $0xFFFFF086  }
0x25: {  	[simem:s6], [sflag:s4] =	dma.local [hbm:s3], $0xF7A  }
0x26: {  	[smem:$0x3F9D] =	sst s1;
	(tag) =	ssettag s2;
	_ =	strace s9  }
0x27: {  	s1 =	sld [smem:$0x3FAD]  }
0x28: {  	s2 =	sld [smem:$0x3FAE]  }
0x29: {  	s4 =	sld [smem:$0x3FB0]  }
0x2a: {  	p0 =	seq.s32 s5, $0x0;
	s5 =	sld [smem:$0x3FB1]  }
0x2b: {  	s6 =	sld [smem:$0x3FB2]  }
0x2c: {  	s7 =	sld [smem:$0x3FB3]  }
0x2d: {  	s3 =	simm.s32 $0x108;
	s8 =	sld [smem:$0x3FB4]  }
0x2e: {  	s3 =	simm.s32 @!p0 $0x1082;
	s9 =	sld [smem:$0x3FB5]  }
0x2f: {  	lr =	sadd.s32 s0, s3;
	s0 =	sld [smem:$0x3FAC]  }
0x30: {  	s3 =	sld [smem:$0x3FAF]  }
0x31: {  	[smem:$0x3FB8] =	sst s10  }
0x32: {  	s10 =	sld [smem:$0x3FB6];
	_ =	sdelay $0x3  }
0x33: {  	p0 =	seq.s32 s10, $0x1;
	s10 =	sld [smem:$0x3FB8];
	_ =	sdelay $0x3  }
0x34: {  	[smem:$0x3FB8] =	sst s10  }
0x35: {  	s10 =	sld [smem:$0x3FB7];
	_ =	sdelay $0x3  }
0x36: {  	p1 =	seq.s32 s10, $0x1;
	s10 =	sld [smem:$0x3FB8];
	_ =	sdelay $0x3  }
0x37: {  	[smem:$0x3FB8] =	sst s10  }
0x38: {  	s10 =	sld [smem:$0x3FB9]  }
0x39: {  	_ = 	snop;
	(pc) =	sbr.ind lr, $3  }
0x3a: {  	_ = 	snop  }
0x3b: {  	_ = 	snop  }
0x3c: {  	p2 =	seq.s32 s10, $0x1;
	s10 =	sld [smem:$0x3FB8]  }
0x3d: {  	_ =	shalt  }
0x3e: {  	_ =	shalt  }
0x3f: {  	_ =	shalt  }
0x40: {  	_ =	shalt  }
0x41: {  	_ =	shalt  }
0x42: {  	_ =	shalt  }
0x43: {  	_ =	shalt  }
0x44: {  	_ =	shalt  }
0x45: {  	_ =	shalt  }
0x46: {  	_ =	shalt  }
0x47: {  	_ =	shalt  }
0x48: {  	_ =	shalt  }
0x49: {  	_ =	shalt  }
0x4a: {  	_ =	shalt  }
0x4b: {  	_ =	shalt  }
0x4c: {  	_ =	shalt  }
0x4d: {  	_ =	shalt  }
0x4e: {  	_ =	shalt  }
0x4f: {  	_ =	shalt  }
0x50: {  	_ =	shalt  }
0x51: {  	_ =	shalt  }
0x52: {  	_ =	shalt  }
0x53: {  	_ =	shalt  }
0x54: {  	_ =	shalt  }
0x55: {  	_ =	shalt  }
0x56: {  	_ =	shalt  }
0x57: {  	_ =	shalt  }
0x58: {  	_ =	shalt  }
0x59: {  	_ =	shalt  }
0x5a: {  	_ =	shalt  }
0x5b: {  	_ =	shalt  }
0x5c: {  	_ =	shalt  }
0x5d: {  	_ =	shalt  }
0x5e: {  	_ =	shalt  }
0x5f: {  	_ =	shalt  }
0x60: {  	_ =	shalt  }
0x61: {  	_ =	shalt  }
0x62: {  	_ =	shalt  }
0x63: {  	_ =	shalt  }
0x64: {  	_ =	shalt  }
0x65: {  	_ =	shalt  }
0x66: {  	_ =	shalt  }
0x67: {  	_ =	shalt  }
0x68: {  	_ =	shalt  }
0x69: {  	_ =	shalt  }
0x6a: {  	_ =	shalt  }
0x6b: {  	_ =	shalt  }
0x6c: {  	_ =	shalt  }
0x6d: {  	_ =	shalt  }
0x6e: {  	_ =	shalt  }
0x6f: {  	_ =	shalt  }
0x70: {  	_ =	shalt  }
0x71: {  	_ =	shalt  }
0x72: {  	_ =	shalt  }
0x73: {  	_ =	shalt  }
0x74: {  	_ =	shalt  }
0x75: {  	_ =	shalt  }
0x76: {  	_ =	shalt  }
0x77: {  	_ =	shalt  }
0x78: {  	_ =	shalt  }
0x79: {  	_ =	shalt  }
0x7a: {  	_ =	shalt  }
0x7b: {  	_ =	shalt  }
0x7c: {  	_ =	shalt  }
0x7d: {  	_ =	shalt  }
0x7e: {  	_ =	shalt  }
0x7f: {  	_ =	shalt  }
0x80: {  	_ =	shalt  }
0x81: {  	_ =	shalt  }
0x82: {  	_ =	shalt  }
0x83: {  	_ =	shalt  }
0x84: {  	_ =	shalt  }
0x85: {  	_ =	shalt  }
0x86: {  	_ =	shalt  }
0x87: {  	_ =	shalt  }
.Lfunc_end0:
.L_simem_size_0:
called_computation.1_lowered:
.L_overlay_start_0:
0x88: {  	s2 =	sld [smem:$0x3FD9]  }
0x89: {  	s3 =	sld [smem:$0x3FFE];
	_ =	sdelay $0x1  }
0x8a: {  	s1 =	srdreg.scid  }
0x8b: {  	s0 =	sand.u32 $0x1, s1  }
0x8c: {  	s17 =	sshll.u32 s0, $0xA;
	s2 =	sadd.s32 s3, s2  }
0x8d: {  	s2 =	sadd.s32 s2, s17  }
0x8e: {  	[smem:$0x3FC4] =	sst s2  }
0x8f: {  	_ = 	snop  }
0x90: {  	s2 =	sld [smem:$0x3FD0];
	(tm) =	ssettm $0x1  }
0x91: {  	s18 =	sld [smem:$0x3FFB];
	_ =	sdelay $0x3  }
0x92: {  	_ =	strace s18  }
0x93: {  	s3 =	sld [smem:$0x3FFC];
	_ =	sdelay $0x3  }
0x94: {  	_ =	strace s3  }
0x95: {  	s3 =	sld [smem:$0x3FFD];
	_ =	sdelay $0x3  }
0x96: {  	_ =	strace s3  }
0x97: {  	_ =	strace $0x8FFFFFFF  }
0x98: {  	s19 =	sld [smem:$0x3FDB];
	_ =	sdelay $0x1  }
0x99: {  	s4 =	simm.s32 $_scs_section_size  }
0x9a: {  	s5 =	simm.s32 $_size__tile_overlayer_lowered;
	s6 =	simm.s32 $_tile_overlayer_lowered  }
0x9b: {  	s22 =	simm.s32 $0x1BFF;
	s21 =	sshll.u32 s6, $0x1;
	s3 =	sadd.s32 s4, s19  }
0x9c: {  	s7 =	simm.s32 $0x0;
	s20 =	sshll.u32 s5, $0x1;
	s5 =	sadd.s32 s21, s3  }
0x9d: {  	[timem:s7], [sflag:s22] =	dma.local [hbm:s5], s20  }
0x9e: {  	_ =	swait.ge [sflag:s22], s20  }
0x9f: {  	s4 =	ssub.s32 $0x0, s20;
	[sflag:s22] =	ssyncset.done $0x0  }
0xa0: {  	[sflag:s22] =	ssyncadd.s32 s4;
	_ =	sdelay $0x1  }
0xa1: {  	s23 =	simm.s32 $0x1B8B  }
0xa2: {  	_ =	swait.ge [sflag:s23], $0x1  }
0xa3: {  	[sflag:s23] =	ssyncset.done $0x0  }
0xa4: {  	s25 =	simm.s32 $0x1B8E;
	s24 =	sld [smem:$0x3FFE];
	[sflag:s23] =	ssyncadd.s32 $0xFFFFFFFF  }
0xa5: {  	s26 =	simm.s32 $execute0_lowered;
	[smem:$0x3FD2] =	sst s25  }
0xa6: {  	s5 =	sshll.u32 s26, $0x1;
	_ =	strace $0x80000046;
	[dreg:$0x1] =	wrdreg $0xFFFFFFFF  }
0xa7: {  	s28 =	simm.s32 $_size_execute0_lowered;
	s3 =	sadd.s32 s3, s5;
	[dreg:$0x0] =	wrdreg $0x0  }
0xa8: {  	s5 =	sshll.u32 s28, $0x1;
	[dreg:$0x2] =	wrdreg s3  }
0xa9: {  	[dreg:$0x3] =	wrdreg s5  }
0xaa: {  	[dreg:$0x4] =	wrdreg $0xC0  }
0xab: {  	_ =	task [dreg:s7], $0x5FFFF  }
0xac: {  	[dreg:$0x1] =	wrdreg $0xFFFFFFFF  }
0xad: {  	[dreg:$0x0] =	wrdreg $0x60  }
0xae: {  	[dreg:$0x2] =	wrdreg s24  }
0xaf: {  	[dreg:$0x3] =	wrdreg s2  }
0xb0: {  	[dreg:$0x4] =	wrdreg $0x1F4000  }
0xb1: {  	[dreg:$0x5] =	wrdreg $0x9  }
0xb2: {  	_ =	task.clear_ibuf [dreg:s7], $0x6FFFF;
	_ =	strace $0x90000046  }
0xb3: {  	s29 =	simm.s32 $0x9;
	_ =	strace $0x80000048  }
0xb4: {  	_ =	swait.ge [sflag:s29], $0x1  }
0xb5: {  	[sflag:s29] =	ssyncadd.s32 $0xFFFFFFFF  }
0xb6: {  	_ =	strace $0x90000048  }
0xb7: {  	_ =	sfence  }
0xb8: {  	s30 =	sld [smem:$0x0];
	_ =	sdelay $0x2  }
0xb9: {  	s31 =	sshll.u32 s1, $0xD;
	s1 =	sshrl.u32 s1, $0x2  }
0xba: {  	s3 =	sand.u32 $0x4000, s31;
	s1 =	sadd.s32 s1, s30  }
0xbb: {  	s0 =	sor.u32 s3, s0;
	s1 =	sshll.u32 s1, $0x11  }
0xbc: {  	s0 =	sor.u32 s1, s0  }
0xbd: {  	s0 =	sadd.s32 $0x8F2B, s0  }
0xbe: {  	[sflag:s0] =	ssyncadd.remote.s32 $0x1  }
0xbf: {  	_ =	sfence.sel $0xFFFF  }
0xc0: {  	[dreg:$0x0] =	wrdreg $0xFFFFFFFF;
	(pc) =	sbr.abs _section_cstart, $3  }
0xc1: {  	[dreg:$0x1] =	wrdreg $0xFFFFFFFF  }
0xc2: {  	_ =	task.clear_ibuf [dreg:s7], $0x2FFFF;
	_ =	strace $0x9FFFFFFF  }
0xc3: {  	(tm) =	ssettm $0x7FFFFFFF  }
tec
execute0_lowered:
.L_overlay_start_1:
0x0: {  	(tag) =	ssettag $0x1  }
0x1: {  	s0 =	rddreg [dreg:$0x0]  }
0x2: {  	s3 =	rddreg [dreg:$0x1]  }
0x3: {  	s2 =	srdreg.scid;
	s4 =	stileid.u32  }
0x4: {  	s1 =	rddreg [dreg:$0x2];
	s5 =	sand.u32 $0x1, s2;
	s6 =	sshll.u32 s4, $0x1  }
0x5: {  	s30 =	rddreg [dreg:$0x3];
	s2 =	simm.s32 $0x0;
	s6 =	sor.u32 s5, s6  }
0x6: {  	s8 =	sadd.s32 $0xC00, s0;
	s0 =	sadd.s32 $0x1400, s0;
	s7 =	smul.u32 $0xC80, s6  }
0x7: {  	[smem:$0x7FF] =	sst s2;
	s5 =	ssub.s32 $0x2, s5;
	s9 =	smul.u32 $0xC8000, s6  }
0x8: {  	_ =	strace $0x80000047;
	[dreg:$0x4] =	wrdreg s8;
	s6 =	smul.u32 $0x19000, s6  }
0x9: {  	s25 =	sshrl.u32 s5, $0x1;
	s3 =	sadd.s32 s3, s7;
	s11 =	sshrl.u32 s9, $0x3  }
0xa: {  	s12 =	sadd.s32 s0, s6;
	[dreg:$0x5] =	wrdreg s3;
	s0 =	sadd.s32 s0, s11  }
0xb: {  	s6 =	ssub.s32 s5, s25;
	[dreg:$0x6] =	wrdreg s12;
	s13 =	sadd.s32 $0x1900, s0  }
0xc: {  	s14 =	sadd.s32 $0x3200, s0;
	s15 =	sadd.s32 $0x4B00, s0;
	s16 =	sadd.s32 $0x6400, s0  }
0xd: {  	s17 =	sadd.s32 $0x7D00, s0;
	s18 =	sadd.s32 $0x9600, s0;
	s19 =	sadd.s32 $0xAF00, s0  }
0xe: {  	s20 =	sadd.s32 $0xC800, s0;
	s21 =	sadd.s32 $0xE100, s0;
	s22 =	sadd.s32 $0xFA00, s0  }
0xf: {  	s23 =	sadd.s32 $0x11300, s0;
	s24 =	sadd.s32 $0x12C00, s0;
	s26 =	sadd.s32 $0x14500, s0  }
0x10: {  	s5 =	sadd.s32 $0x15E00, s0;
	s3 =	sadd.s32 $0x17700, s0;
	s0 =	rddreg [dreg:$0x4]  }
0x11: {  	[dreg:$0x7] =	wrdreg s13  }
0x12: {  	[dreg:$0x8] =	wrdreg s14  }
0x13: {  	[dreg:$0x9] =	wrdreg s15  }
0x14: {  	[dreg:$0xa] =	wrdreg s16  }
0x15: {  	s10 =	simm.s32 $0x6400;
	[dreg:$0xb] =	wrdreg s17  }
0x16: {  	p1 =	por $0x0, $0x0;
	p0 =	sne.s32 s4, $0x0;
	[dreg:$0xc] =	wrdreg s18  }
0x17: {  	s4 =	simm.s32 $0x4;
	s28 =	sshrl.u32 @!p0 s1, $0x3;
	[dreg:$0xd] =	wrdreg s19  }
0x18: {  	s8 =	simm.s32 $0x640;
	s7 =	simm.s32 $0x12C00;
	[dreg:$0xe] =	wrdreg s20  }
0x19: {  	s9 =	simm.s32 $0x2;
	s25 =	simm.s32 $0xC80;
	[dreg:$0xf] =	wrdreg s21  }
0x1a: {  	s29 =	smax.u32 s6, $0x1;
	s11 =	simm.s32 $0x1;
	[dreg:$0x10] =	wrdreg s22  }
0x1b: {  	s6 =	simm.s32 $0x3;
	s31 =	sadd.s32 $0xFFFFFFFF, s29;
	[dreg:$0x11] =	wrdreg s23  }
0x1c: {  	s12 =	simm.s32 $0x5DC0;
	[dreg:$0x12] =	wrdreg s24;
	p2 =	sne.s32 s31, $0x0  }
.Ltmp0:
0x1d: {  	[dreg:$0x13] =	wrdreg s26;
	s26 =	simm.s32 $0x5;
	(pc) =	sbr.rel @!p2 .LBB2_5-.Ltmp0, $4  }
0x1e: {  	s24 =	simm.s32 $0x12C0;
	s23 =	simm.s32 $0x1900;
	s22 =	simm.s32 $0x1F40  }
0x1f: {  	s21 =	simm.s32 $0x2580;
	s20 =	simm.s32 $0x2BC0;
	s19 =	simm.s32 $0x3200  }
0x20: {  	s18 =	simm.s32 $0x3840;
	s17 =	simm.s32 $0x3E80;
	s16 =	simm.s32 $0x44C0  }
0x21: {  	s15 =	simm.s32 $0x4B00;
	s14 =	simm.s32 $0x5140;
	s13 =	simm.s32 $0x5780  }
0x22: {  	s29 =	simm.s32 @!p0 $0x1C05;
	s30 =	simm.s32 @!p0 $0x5  }
0x23: {  	[spmem:s28], [sflag:s29] =	dma.local @!p0 [hbm:s0], $0x7D0  }
0x24: {  	_ =	swait.ge @!p0 [sflag:s30], $0x7D0  }
0x25: {  	[sflag:s30] =	ssyncset.done @!p0 $0x0  }
0x26: {  	s0 =	rddreg [dreg:$0x5];
	[sflag:s30] =	ssyncadd.s32 @!p0 $0xFFFFF830  }
0x27: {  	[tilespmem:s2], [sflag:$0x5] =	stream.linear.gather [hbm4b:s0+s2], $0x6400, $0x38;
	[tilespmem:$0x1F7E8] =	vst v63  }
0x28: {  	_ =	swait.ge [sflag:s26], $0x6400  }
0x29: {  	[sflag:s26] =	ssyncset.done $0x0  }
0x2a: {  	[sflag:s26] =	ssyncadd.s32 $0xFFFF9C00  }
0x2b: {  	[bflag:$0x0] =	sbarrier.arrive $0xFFFF  }
0x2c: {  	[tilespmem:s10], [sflag:$0x1] =	stream.indirect.gather [spmem:s1], $0x20, s2, s8, $0xb8;
	[tilespmem:$0x1F7E8] =	vst v63  }
0x2d: {  	_ =	swait.ge [sflag:s11], $0xC800  }
0x2e: {  	[sflag:s11] =	ssyncset.done $0x0  }
0x2f: {  	s0 =	rddreg [dreg:$0x6];
	[sflag:s11] =	ssyncadd.s32 $0xFFFF3800  }
0x30: {  	[hbm4b:s0+s2] =	stream.linear.scatter [tilespmem:s10], [sflag:$0x3], $0xC800, $0x38;
	[tilespmem:$0x1F7E8] =	vst v63  }
0x31: {  	_ = 	snop  }
0x32: {  	[tilespmem:s7], [sflag:$0x2] =	stream.indirect.gather [spmem:s1], $0x20, s8, s8, $0xb8;
	[tilespmem:$0x1F7E8] =	vst v63  }
0x33: {  	_ =	swait.ge [sflag:s9], $0xC800  }
0x34: {  	[sflag:s9] =	ssyncset.done $0x0  }
0x35: {  	s0 =	rddreg [dreg:$0x7];
	[sflag:s9] =	ssyncadd.s32 $0xFFFF3800  }
0x36: {  	[hbm4b:s0+s2] =	stream.linear.scatter [tilespmem:s7], [sflag:$0x4], $0xC800, $0x38;
	[tilespmem:$0x1F7E8] =	vst v63  }
0x37: {  	_ =	swait.ge [sflag:s6], $0xC800  }
0x38: {  	[sflag:s6] =	ssyncset.done $0x0  }
0x39: {  	[sflag:s6] =	ssyncadd.s32 $0xFFFF3800  }
0x3a: {  	[tilespmem:s10], [sflag:$0x1] =	stream.indirect.gather [spmem:s1], $0x20, s25, s8, $0xb8;
	[tilespmem:$0x1F7E8] =	vst v63  }
0x3b: {  	_ =	swait.ge [sflag:s11], $0xC800  }
0x3c: {  	[sflag:s11] =	ssyncset.done $0x0  }
0x3d: {  	s0 =	rddreg [dreg:$0x8];
	[sflag:s11] =	ssyncadd.s32 $0xFFFF3800  }
0x3e: {  	[hbm4b:s0+s2] =	stream.linear.scatter [tilespmem:s10], [sflag:$0x3], $0xC800, $0x38;
	[tilespmem:$0x1F7E8] =	vst v63  }
0x3f: {  	_ =	swait.ge [sflag:s4], $0xC800  }
0x40: {  	[sflag:s4] =	ssyncset.done $0x0  }
0x41: {  	[sflag:s4] =	ssyncadd.s32 $0xFFFF3800  }
0x42: {  	[tilespmem:s7], [sflag:$0x2] =	stream.indirect.gather [spmem:s1], $0x20, s24, s8, $0xb8;
	[tilespmem:$0x1F7E8] =	vst v63  }
0x43: {  	_ =	swait.ge [sflag:s9], $0xC800  }
0x44: {  	[sflag:s9] =	ssyncset.done $0x0  }
0x45: {  	s0 =	rddreg [dreg:$0x9];
	[sflag:s9] =	ssyncadd.s32 $0xFFFF3800  }
0x46: {  	[hbm4b:s0+s2] =	stream.linear.scatter [tilespmem:s7], [sflag:$0x4], $0xC800, $0x38;
	[tilespmem:$0x1F7E8] =	vst v63  }
0x47: {  	_ =	swait.ge [sflag:s6], $0xC800  }
0x48: {  	[sflag:s6] =	ssyncset.done $0x0  }
0x49: {  	[sflag:s6] =	ssyncadd.s32 $0xFFFF3800  }
0x4a: {  	[tilespmem:s10], [sflag:$0x1] =	stream.indirect.gather [spmem:s1], $0x20, s23, s8, $0xb8;
	[tilespmem:$0x1F7E8] =	vst v63  }
0x4b: {  	_ =	swait.ge [sflag:s11], $0xC800  }
0x4c: {  	[sflag:s11] =	ssyncset.done $0x0  }
0x4d: {  	s0 =	rddreg [dreg:$0xa];
	[sflag:s11] =	ssyncadd.s32 $0xFFFF3800  }
0x4e: {  	[hbm4b:s0+s2] =	stream.linear.scatter [tilespmem:s10], [sflag:$0x3], $0xC800, $0x38;
	[tilespmem:$0x1F7E8] =	vst v63  }
0x4f: {  	_ =	swait.ge [sflag:s4], $0xC800  }
0x50: {  	[sflag:s4] =	ssyncset.done $0x0  }
0x51: {  	[sflag:s4] =	ssyncadd.s32 $0xFFFF3800  }
0x52: {  	[tilespmem:s7], [sflag:$0x2] =	stream.indirect.gather [spmem:s1], $0x20, s22, s8, $0xb8;
	[tilespmem:$0x1F7E8] =	vst v63  }
0x53: {  	_ =	swait.ge [sflag:s9], $0xC800  }
0x54: {  	[sflag:s9] =	ssyncset.done $0x0  }
0x55: {  	s0 =	rddreg [dreg:$0xb];
	[sflag:s9] =	ssyncadd.s32 $0xFFFF3800  }
0x56: {  	[hbm4b:s0+s2] =	stream.linear.scatter [tilespmem:s7], [sflag:$0x4], $0xC800, $0x38;
	[tilespmem:$0x1F7E8] =	vst v63  }
0x57: {  	_ =	swait.ge [sflag:s6], $0xC800  }
0x58: {  	[sflag:s6] =	ssyncset.done $0x0  }
0x59: {  	[sflag:s6] =	ssyncadd.s32 $0xFFFF3800  }
0x5a: {  	[tilespmem:s10], [sflag:$0x1] =	stream.indirect.gather [spmem:s1], $0x20, s21, s8, $0xb8;
	[tilespmem:$0x1F7E8] =	vst v63  }
0x5b: {  	_ =	swait.ge [sflag:s11], $0xC800  }
0x5c: {  	[sflag:s11] =	ssyncset.done $0x0  }
0x5d: {  	s0 =	rddreg [dreg:$0xc];
	[sflag:s11] =	ssyncadd.s32 $0xFFFF3800  }
0x5e: {  	[hbm4b:s0+s2] =	stream.linear.scatter [tilespmem:s10], [sflag:$0x3], $0xC800, $0x38;
	[tilespmem:$0x1F7E8] =	vst v63  }
0x5f: {  	_ =	swait.ge [sflag:s4], $0xC800  }
0x60: {  	[sflag:s4] =	ssyncset.done $0x0  }
0x61: {  	[sflag:s4] =	ssyncadd.s32 $0xFFFF3800  }
0x62: {  	[tilespmem:s7], [sflag:$0x2] =	stream.indirect.gather [spmem:s1], $0x20, s20, s8, $0xb8;
	[tilespmem:$0x1F7E8] =	vst v63  }
0x63: {  	_ =	swait.ge [sflag:s9], $0xC800  }
0x64: {  	[sflag:s9] =	ssyncset.done $0x0  }
0x65: {  	s0 =	rddreg [dreg:$0xd];
	[sflag:s9] =	ssyncadd.s32 $0xFFFF3800  }
0x66: {  	[hbm4b:s0+s2] =	stream.linear.scatter [tilespmem:s7], [sflag:$0x4], $0xC800, $0x38;
	[tilespmem:$0x1F7E8] =	vst v63  }
0x67: {  	_ =	swait.ge [sflag:s6], $0xC800  }
0x68: {  	[sflag:s6] =	ssyncset.done $0x0  }
0x69: {  	[sflag:s6] =	ssyncadd.s32 $0xFFFF3800  }
0x6a: {  	[tilespmem:s10], [sflag:$0x1] =	stream.indirect.gather [spmem:s1], $0x20, s19, s8, $0xb8;
	[tilespmem:$0x1F7E8] =	vst v63  }
0x6b: {  	_ =	swait.ge [sflag:s11], $0xC800  }
0x6c: {  	[sflag:s11] =	ssyncset.done $0x0  }
0x6d: {  	s0 =	rddreg [dreg:$0xe];
	[sflag:s11] =	ssyncadd.s32 $0xFFFF3800  }
0x6e: {  	[hbm4b:s0+s2] =	stream.linear.scatter [tilespmem:s10], [sflag:$0x3], $0xC800, $0x38;
	[tilespmem:$0x1F7E8] =	vst v63  }
0x6f: {  	_ =	swait.ge [sflag:s4], $0xC800  }
0x70: {  	[sflag:s4] =	ssyncset.done $0x0  }
0x71: {  	[sflag:s4] =	ssyncadd.s32 $0xFFFF3800  }
0x72: {  	[tilespmem:s7], [sflag:$0x2] =	stream.indirect.gather [spmem:s1], $0x20, s18, s8, $0xb8;
	[tilespmem:$0x1F7E8] =	vst v63  }
0x73: {  	_ =	swait.ge [sflag:s9], $0xC800  }
0x74: {  	[sflag:s9] =	ssyncset.done $0x0  }
0x75: {  	s0 =	rddreg [dreg:$0xf];
	[sflag:s9] =	ssyncadd.s32 $0xFFFF3800  }
0x76: {  	[hbm4b:s0+s2] =	stream.linear.scatter [tilespmem:s7], [sflag:$0x4], $0xC800, $0x38;
	[tilespmem:$0x1F7E8] =	vst v63  }
0x77: {  	_ =	swait.ge [sflag:s6], $0xC800  }
0x78: {  	[sflag:s6] =	ssyncset.done $0x0  }
0x79: {  	[sflag:s6] =	ssyncadd.s32 $0xFFFF3800  }
0x7a: {  	[tilespmem:s10], [sflag:$0x1] =	stream.indirect.gather [spmem:s1], $0x20, s17, s8, $0xb8;
	[tilespmem:$0x1F7E8] =	vst v63  }
0x7b: {  	_ =	swait.ge [sflag:s11], $0xC800  }
0x7c: {  	[sflag:s11] =	ssyncset.done $0x0  }
0x7d: {  	s0 =	rddreg [dreg:$0x10];
	[sflag:s11] =	ssyncadd.s32 $0xFFFF3800  }
0x7e: {  	[hbm4b:s0+s2] =	stream.linear.scatter [tilespmem:s10], [sflag:$0x3], $0xC800, $0x38;
	[tilespmem:$0x1F7E8] =	vst v63  }
0x7f: {  	_ =	swait.ge [sflag:s4], $0xC800  }
0x80: {  	[sflag:s4] =	ssyncset.done $0x0  }
0x81: {  	[sflag:s4] =	ssyncadd.s32 $0xFFFF3800  }
0x82: {  	[tilespmem:s7], [sflag:$0x2] =	stream.indirect.gather [spmem:s1], $0x20, s16, s8, $0xb8;
	[tilespmem:$0x1F7E8] =	vst v63  }
0x83: {  	_ =	swait.ge [sflag:s9], $0xC800  }
0x84: {  	[sflag:s9] =	ssyncset.done $0x0  }
0x85: {  	s0 =	rddreg [dreg:$0x11];
	[sflag:s9] =	ssyncadd.s32 $0xFFFF3800  }
0x86: {  	[hbm4b:s0+s2] =	stream.linear.scatter [tilespmem:s7], [sflag:$0x4], $0xC800, $0x38;
	[tilespmem:$0x1F7E8] =	vst v63  }
0x87: {  	_ =	swait.ge [sflag:s6], $0xC800  }
0x88: {  	[sflag:s6] =	ssyncset.done $0x0  }
0x89: {  	[sflag:s6] =	ssyncadd.s32 $0xFFFF3800  }
0x8a: {  	[tilespmem:s10], [sflag:$0x1] =	stream.indirect.gather [spmem:s1], $0x20, s15, s8, $0xb8;
	[tilespmem:$0x1F7E8] =	vst v63  }
0x8b: {  	_ =	swait.ge [sflag:s11], $0xC800  }
0x8c: {  	[sflag:s11] =	ssyncset.done $0x0  }
0x8d: {  	s0 =	rddreg [dreg:$0x12];
	[sflag:s11] =	ssyncadd.s32 $0xFFFF3800  }
0x8e: {  	[hbm4b:s0+s2] =	stream.linear.scatter [tilespmem:s10], [sflag:$0x3], $0xC800, $0x38;
	[tilespmem:$0x1F7E8] =	vst v63  }
0x8f: {  	_ =	swait.ge [sflag:s4], $0xC800  }
0x90: {  	[sflag:s4] =	ssyncset.done $0x0  }
0x91: {  	[sflag:s4] =	ssyncadd.s32 $0xFFFF3800  }
0x92: {  	[tilespmem:s7], [sflag:$0x2] =	stream.indirect.gather [spmem:s1], $0x20, s14, s8, $0xb8;
	[tilespmem:$0x1F7E8] =	vst v63  }
0x93: {  	_ =	swait.ge [sflag:s9], $0xC800  }
0x94: {  	[sflag:s9] =	ssyncset.done $0x0  }
0x95: {  	s0 =	rddreg [dreg:$0x13];
	[sflag:s9] =	ssyncadd.s32 $0xFFFF3800  }
0x96: {  	[hbm4b:s0+s2] =	stream.linear.scatter [tilespmem:s7], [sflag:$0x4], $0xC800, $0x38;
	[tilespmem:$0x1F7E8] =	vst v63  }
0x97: {  	_ =	swait.ge [sflag:s6], $0xC800  }
0x98: {  	[sflag:s6] =	ssyncset.done $0x0  }
0x99: {  	[sflag:s6] =	ssyncadd.s32 $0xFFFF3800  }
0x9a: {  	[tilespmem:s10], [sflag:$0x1] =	stream.indirect.gather [spmem:s1], $0x20, s13, s8, $0xb8;
	[tilespmem:$0x1F7E8] =	vst v63  }
0x9b: {  	_ =	swait.ge [sflag:s11], $0xC800  }
0x9c: {  	[sflag:s11] =	ssyncset.done $0x0  }
0x9d: {  	[sflag:s11] =	ssyncadd.s32 $0xFFFF3800  }
0x9e: {  	[hbm4b:s5+s2] =	stream.linear.scatter [tilespmem:s10], [sflag:$0x3], $0xC800, $0x38;
	[tilespmem:$0x1F7E8] =	vst v63  }
0x9f: {  	_ =	swait.ge [sflag:s4], $0xC800  }
0xa0: {  	[sflag:s4] =	ssyncset.done $0x0  }
0xa1: {  	[sflag:s4] =	ssyncadd.s32 $0xFFFF3800  }
0xa2: {  	[tilespmem:s7], [sflag:$0x2] =	stream.indirect.gather [spmem:s1], $0x20, s12, s8, $0xb8;
	[tilespmem:$0x1F7E8] =	vst v63  }
0xa3: {  	_ =	swait.ge [sflag:s9], $0xC800  }
0xa4: {  	s31 =	sadd.s32 $0xFFFFFFFF, s31;
	[sflag:s9] =	ssyncset.done $0x0  }
0xa5: {  	p2 =	sne.s32 s31, $0x0;
	[sflag:s9] =	ssyncadd.s32 $0xFFFF3800  }
0xa6: {  	[hbm4b:s3+s2] =	stream.linear.scatter [tilespmem:s7], [sflag:$0x4], $0xC800, $0x38;
	[tilespmem:$0x1F7E8] =	vst v63  }
.Ltmp1:
0xa7: {  	_ =	swait.ge [sflag:s6], $0xC800;
	(pc) =	sbr.rel @!p2 .LBB2_2-.Ltmp1, $4  }
0xa8: {  	[sflag:s6] =	ssyncset.done $0x0  }
0xa9: {  	[sflag:s6] =	ssyncadd.s32 $0xFFFF3800  }
0xaa: {  	_ =	swait.ge [sflag:s4], $0xC800  }
0xab: {  	p1 =	por $0x1, $0x1;
	s0 =	rddreg [dreg:$0x4];
	[sflag:s4] =	ssyncset.done $0x0  }
.LBB2_3:
0xac: {  	[sflag:s4] =	ssyncadd.s32 $0xFFFF3800  }
0xad: {  	[spmem:s28], [sflag:s29] =	dma.local @!p0 [hbm:s0], $0x7D0  }
0xae: {  	_ =	swait.ge @!p0 [sflag:s30], $0x7D0  }
0xaf: {  	[sflag:s30] =	ssyncset.done @!p0 $0x0  }
0xb0: {  	s0 =	rddreg [dreg:$0x5];
	[sflag:s30] =	ssyncadd.s32 @!p0 $0xFFFFF830  }
0xb1: {  	[tilespmem:s2], [sflag:$0x5] =	stream.linear.gather [hbm4b:s0+s2], $0x6400, $0x38;
	[tilespmem:$0x1F7E8] =	vst v63  }
0xb2: {  	_ =	swait.ge [sflag:s26], $0x6400  }
0xb3: {  	[sflag:s26] =	ssyncset.done $0x0  }
0xb4: {  	[sflag:s26] =	ssyncadd.s32 $0xFFFF9C00  }
0xb5: {  	[bflag:$0x0] =	sbarrier.arrive $0xFFFF  }
0xb6: {  	[tilespmem:s10], [sflag:$0x1] =	stream.indirect.gather [spmem:s1], $0x20, s2, s8, $0xb8;
	[tilespmem:$0x1F7E8] =	vst v63  }
0xb7: {  	_ =	swait.ge [sflag:s11], $0xC800  }
0xb8: {  	[sflag:s11] =	ssyncset.done $0x0  }
0xb9: {  	s0 =	rddreg [dreg:$0x6];
	[sflag:s11] =	ssyncadd.s32 $0xFFFF3800  }
0xba: {  	[hbm4b:s0+s2] =	stream.linear.scatter [tilespmem:s10], [sflag:$0x3], $0xC800, $0x38;
	[tilespmem:$0x1F7E8] =	vst v63  }
0xbb: {  	_ = 	snop  }
0xbc: {  	[tilespmem:s7], [sflag:$0x2] =	stream.indirect.gather [spmem:s1], $0x20, s8, s8, $0xb8;
	[tilespmem:$0x1F7E8] =	vst v63  }
0xbd: {  	_ =	swait.ge [sflag:s9], $0xC800  }
0xbe: {  	[sflag:s9] =	ssyncset.done $0x0  }
0xbf: {  	s0 =	rddreg [dreg:$0x7];
	[sflag:s9] =	ssyncadd.s32 $0xFFFF3800  }
0xc0: {  	[hbm4b:s0+s2] =	stream.linear.scatter [tilespmem:s7], [sflag:$0x4], $0xC800, $0x38;
	[tilespmem:$0x1F7E8] =	vst v63  }
0xc1: {  	_ =	swait.ge [sflag:s6], $0xC800  }
0xc2: {  	[sflag:s6] =	ssyncset.done $0x0  }
0xc3: {  	[sflag:s6] =	ssyncadd.s32 $0xFFFF3800  }
0xc4: {  	[tilespmem:s10], [sflag:$0x1] =	stream.indirect.gather [spmem:s1], $0x20, s25, s8, $0xb8;
	[tilespmem:$0x1F7E8] =	vst v63  }
0xc5: {  	_ =	swait.ge [sflag:s11], $0xC800  }
0xc6: {  	[sflag:s11] =	ssyncset.done $0x0  }
0xc7: {  	s0 =	rddreg [dreg:$0x8];
	[sflag:s11] =	ssyncadd.s32 $0xFFFF3800  }
0xc8: {  	[hbm4b:s0+s2] =	stream.linear.scatter [tilespmem:s10], [sflag:$0x3], $0xC800, $0x38;
	[tilespmem:$0x1F7E8] =	vst v63  }
0xc9: {  	_ =	swait.ge [sflag:s4], $0xC800  }
0xca: {  	[sflag:s4] =	ssyncset.done $0x0  }
0xcb: {  	[sflag:s4] =	ssyncadd.s32 $0xFFFF3800  }
0xcc: {  	[tilespmem:s7], [sflag:$0x2] =	stream.indirect.gather [spmem:s1], $0x20, s24, s8, $0xb8;
	[tilespmem:$0x1F7E8] =	vst v63  }
0xcd: {  	_ =	swait.ge [sflag:s9], $0xC800  }
0xce: {  	[sflag:s9] =	ssyncset.done $0x0  }
0xcf: {  	s0 =	rddreg [dreg:$0x9];
	[sflag:s9] =	ssyncadd.s32 $0xFFFF3800  }
0xd0: {  	[hbm4b:s0+s2] =	stream.linear.scatter [tilespmem:s7], [sflag:$0x4], $0xC800, $0x38;
	[tilespmem:$0x1F7E8] =	vst v63  }
0xd1: {  	_ =	swait.ge [sflag:s6], $0xC800  }
0xd2: {  	[sflag:s6] =	ssyncset.done $0x0  }
0xd3: {  	[sflag:s6] =	ssyncadd.s32 $0xFFFF3800  }
0xd4: {  	[tilespmem:s10], [sflag:$0x1] =	stream.indirect.gather [spmem:s1], $0x20, s23, s8, $0xb8;
	[tilespmem:$0x1F7E8] =	vst v63  }
0xd5: {  	_ =	swait.ge [sflag:s11], $0xC800  }
0xd6: {  	[sflag:s11] =	ssyncset.done $0x0  }
0xd7: {  	s0 =	rddreg [dreg:$0xa];
	[sflag:s11] =	ssyncadd.s32 $0xFFFF3800  }
0xd8: {  	[hbm4b:s0+s2] =	stream.linear.scatter [tilespmem:s10], [sflag:$0x3], $0xC800, $0x38;
	[tilespmem:$0x1F7E8] =	vst v63  }
0xd9: {  	_ =	swait.ge [sflag:s4], $0xC800  }
0xda: {  	[sflag:s4] =	ssyncset.done $0x0  }
0xdb: {  	[sflag:s4] =	ssyncadd.s32 $0xFFFF3800  }
0xdc: {  	[tilespmem:s7], [sflag:$0x2] =	stream.indirect.gather [spmem:s1], $0x20, s22, s8, $0xb8;
	[tilespmem:$0x1F7E8] =	vst v63  }
0xdd: {  	_ =	swait.ge [sflag:s9], $0xC800  }
0xde: {  	[sflag:s9] =	ssyncset.done $0x0  }
0xdf: {  	s0 =	rddreg [dreg:$0xb];
	[sflag:s9] =	ssyncadd.s32 $0xFFFF3800  }
0xe0: {  	[hbm4b:s0+s2] =	stream.linear.scatter [tilespmem:s7], [sflag:$0x4], $0xC800, $0x38;
	[tilespmem:$0x1F7E8] =	vst v63  }
0xe1: {  	_ =	swait.ge [sflag:s6], $0xC800  }
0xe2: {  	[sflag:s6] =	ssyncset.done $0x0  }
0xe3: {  	[sflag:s6] =	ssyncadd.s32 $0xFFFF3800  }
0xe4: {  	[tilespmem:s10], [sflag:$0x1] =	stream.indirect.gather [spmem:s1], $0x20, s21, s8, $0xb8;
	[tilespmem:$0x1F7E8] =	vst v63  }
0xe5: {  	_ =	swait.ge [sflag:s11], $0xC800  }
0xe6: {  	[sflag:s11] =	ssyncset.done $0x0  }
0xe7: {  	s0 =	rddreg [dreg:$0xc];
	[sflag:s11] =	ssyncadd.s32 $0xFFFF3800  }
0xe8: {  	[hbm4b:s0+s2] =	stream.linear.scatter [tilespmem:s10], [sflag:$0x3], $0xC800, $0x38;
	[tilespmem:$0x1F7E8] =	vst v63  }
0xe9: {  	_ =	swait.ge [sflag:s4], $0xC800  }
0xea: {  	[sflag:s4] =	ssyncset.done $0x0  }
0xeb: {  	[sflag:s4] =	ssyncadd.s32 $0xFFFF3800  }
0xec: {  	[tilespmem:s7], [sflag:$0x2] =	stream.indirect.gather [spmem:s1], $0x20, s20, s8, $0xb8;
	[tilespmem:$0x1F7E8] =	vst v63  }
0xed: {  	_ =	swait.ge [sflag:s9], $0xC800  }
0xee: {  	[sflag:s9] =	ssyncset.done $0x0  }
0xef: {  	s0 =	rddreg [dreg:$0xd];
	[sflag:s9] =	ssyncadd.s32 $0xFFFF3800  }
0xf0: {  	[hbm4b:s0+s2] =	stream.linear.scatter [tilespmem:s7], [sflag:$0x4], $0xC800, $0x38;
	[tilespmem:$0x1F7E8] =	vst v63  }
0xf1: {  	_ =	swait.ge [sflag:s6], $0xC800  }
0xf2: {  	[sflag:s6] =	ssyncset.done $0x0  }
0xf3: {  	[sflag:s6] =	ssyncadd.s32 $0xFFFF3800  }
0xf4: {  	[tilespmem:s10], [sflag:$0x1] =	stream.indirect.gather [spmem:s1], $0x20, s19, s8, $0xb8;
	[tilespmem:$0x1F7E8] =	vst v63  }
0xf5: {  	_ =	swait.ge [sflag:s11], $0xC800  }
0xf6: {  	[sflag:s11] =	ssyncset.done $0x0  }
0xf7: {  	s0 =	rddreg [dreg:$0xe];
	[sflag:s11] =	ssyncadd.s32 $0xFFFF3800  }
0xf8: {  	[hbm4b:s0+s2] =	stream.linear.scatter [tilespmem:s10], [sflag:$0x3], $0xC800, $0x38;
	[tilespmem:$0x1F7E8] =	vst v63  }
0xf9: {  	_ =	swait.ge [sflag:s4], $0xC800  }
0xfa: {  	[sflag:s4] =	ssyncset.done $0x0  }
0xfb: {  	[sflag:s4] =	ssyncadd.s32 $0xFFFF3800  }
0xfc: {  	[tilespmem:s7], [sflag:$0x2] =	stream.indirect.gather [spmem:s1], $0x20, s18, s8, $0xb8;
	[tilespmem:$0x1F7E8] =	vst v63  }
0xfd: {  	_ =	swait.ge [sflag:s9], $0xC800  }
0xfe: {  	[sflag:s9] =	ssyncset.done $0x0  }
0xff: {  	s0 =	rddreg [dreg:$0xf];
	[sflag:s9] =	ssyncadd.s32 $0xFFFF3800  }
0x100: {  	[hbm4b:s0+s2] =	stream.linear.scatter [tilespmem:s7], [sflag:$0x4], $0xC800, $0x38;
	[tilespmem:$0x1F7E8] =	vst v63  }
0x101: {  	_ =	swait.ge [sflag:s6], $0xC800  }
0x102: {  	[sflag:s6] =	ssyncset.done $0x0  }
0x103: {  	[sflag:s6] =	ssyncadd.s32 $0xFFFF3800  }
0x104: {  	[tilespmem:s10], [sflag:$0x1] =	stream.indirect.gather [spmem:s1], $0x20, s17, s8, $0xb8;
	[tilespmem:$0x1F7E8] =	vst v63  }
0x105: {  	_ =	swait.ge [sflag:s11], $0xC800  }
0x106: {  	[sflag:s11] =	ssyncset.done $0x0  }
0x107: {  	s0 =	rddreg [dreg:$0x10];
	[sflag:s11] =	ssyncadd.s32 $0xFFFF3800  }
0x108: {  	[hbm4b:s0+s2] =	stream.linear.scatter [tilespmem:s10], [sflag:$0x3], $0xC800, $0x38;
	[tilespmem:$0x1F7E8] =	vst v63  }
0x109: {  	_ =	swait.ge [sflag:s4], $0xC800  }
0x10a: {  	[sflag:s4] =	ssyncset.done $0x0  }
0x10b: {  	[sflag:s4] =	ssyncadd.s32 $0xFFFF3800  }
0x10c: {  	[tilespmem:s7], [sflag:$0x2] =	stream.indirect.gather [spmem:s1], $0x20, s16, s8, $0xb8;
	[tilespmem:$0x1F7E8] =	vst v63  }
0x10d: {  	_ =	swait.ge [sflag:s9], $0xC800  }
0x10e: {  	[sflag:s9] =	ssyncset.done $0x0  }
0x10f: {  	s0 =	rddreg [dreg:$0x11];
	[sflag:s9] =	ssyncadd.s32 $0xFFFF3800  }
0x110: {  	[hbm4b:s0+s2] =	stream.linear.scatter [tilespmem:s7], [sflag:$0x4], $0xC800, $0x38;
	[tilespmem:$0x1F7E8] =	vst v63  }
0x111: {  	_ =	swait.ge [sflag:s6], $0xC800  }
0x112: {  	[sflag:s6] =	ssyncset.done $0x0  }
0x113: {  	[sflag:s6] =	ssyncadd.s32 $0xFFFF3800  }
0x114: {  	[tilespmem:s10], [sflag:$0x1] =	stream.indirect.gather [spmem:s1], $0x20, s15, s8, $0xb8;
	[tilespmem:$0x1F7E8] =	vst v63  }
0x115: {  	_ =	swait.ge [sflag:s11], $0xC800  }
0x116: {  	[sflag:s11] =	ssyncset.done $0x0  }
0x117: {  	s0 =	rddreg [dreg:$0x12];
	[sflag:s11] =	ssyncadd.s32 $0xFFFF3800  }
0x118: {  	[hbm4b:s0+s2] =	stream.linear.scatter [tilespmem:s10], [sflag:$0x3], $0xC800, $0x38;
	[tilespmem:$0x1F7E8] =	vst v63  }
0x119: {  	_ =	swait.ge [sflag:s4], $0xC800  }
0x11a: {  	[sflag:s4] =	ssyncset.done $0x0  }
0x11b: {  	[sflag:s4] =	ssyncadd.s32 $0xFFFF3800  }
0x11c: {  	[tilespmem:s7], [sflag:$0x2] =	stream.indirect.gather [spmem:s1], $0x20, s14, s8, $0xb8;
	[tilespmem:$0x1F7E8] =	vst v63  }
0x11d: {  	_ =	swait.ge [sflag:s9], $0xC800  }
0x11e: {  	[sflag:s9] =	ssyncset.done $0x0  }
0x11f: {  	s0 =	rddreg [dreg:$0x13];
	[sflag:s9] =	ssyncadd.s32 $0xFFFF3800  }
0x120: {  	[hbm4b:s0+s2] =	stream.linear.scatter [tilespmem:s7], [sflag:$0x4], $0xC800, $0x38;
	[tilespmem:$0x1F7E8] =	vst v63  }
0x121: {  	_ =	swait.ge [sflag:s6], $0xC800  }
0x122: {  	[sflag:s6] =	ssyncset.done $0x0  }
0x123: {  	[sflag:s6] =	ssyncadd.s32 $0xFFFF3800  }
0x124: {  	[tilespmem:s10], [sflag:$0x1] =	stream.indirect.gather [spmem:s1], $0x20, s13, s8, $0xb8;
	[tilespmem:$0x1F7E8] =	vst v63  }
0x125: {  	_ =	swait.ge [sflag:s11], $0xC800  }
0x126: {  	[sflag:s11] =	ssyncset.done $0x0  }
0x127: {  	[sflag:s11] =	ssyncadd.s32 $0xFFFF3800  }
0x128: {  	[hbm4b:s5+s2] =	stream.linear.scatter [tilespmem:s10], [sflag:$0x3], $0xC800, $0x38;
	[tilespmem:$0x1F7E8] =	vst v63  }
0x129: {  	_ =	swait.ge [sflag:s4], $0xC800  }
0x12a: {  	[sflag:s4] =	ssyncset.done $0x0  }
0x12b: {  	[sflag:s4] =	ssyncadd.s32 $0xFFFF3800  }
0x12c: {  	[tilespmem:s7], [sflag:$0x2] =	stream.indirect.gather [spmem:s1], $0x20, s12, s8, $0xb8;
	[tilespmem:$0x1F7E8] =	vst v63  }
0x12d: {  	_ =	swait.ge [sflag:s9], $0xC800  }
0x12e: {  	s31 =	sadd.s32 $0xFFFFFFFF, s31;
	[sflag:s9] =	ssyncset.done $0x0  }
0x12f: {  	p2 =	sne.s32 s31, $0x0;
	[sflag:s9] =	ssyncadd.s32 $0xFFFF3800  }
0x130: {  	[hbm4b:s3+s2] =	stream.linear.scatter [tilespmem:s7], [sflag:$0x4], $0xC800, $0x38;
	[tilespmem:$0x1F7E8] =	vst v63  }
.Ltmp2:
0x131: {  	_ =	swait.ge [sflag:s6], $0xC800;
	(pc) =	sbr.rel @p2 .LBB2_3-.Ltmp2, $4  }
0x132: {  	[sflag:s6] =	ssyncset.done $0x0  }
0x133: {  	[sflag:s6] =	ssyncadd.s32 $0xFFFF3800  }
0x134: {  	_ =	swait.ge [sflag:s4], $0xC800  }
0x135: {  	s0 =	rddreg [dreg:$0x4];
	[sflag:s4] =	ssyncset.done $0x0  }
0x136: {  	s30 =	rddreg [dreg:$0x3]  }
.LBB2_5:
0x137: {  	[sflag:s4] =	ssyncadd.s32 @p1 $0xFFFF3800;
	s29 =	simm.s32 @!p0 $0x1C05  }
0x138: {  	[spmem:s28], [sflag:s29] =	dma.local @!p0 [hbm:s0], $0x7D0  }
0x139: {  	s0 =	simm.s32 @!p0 $0x5  }
0x13a: {  	_ =	swait.ge @!p0 [sflag:s0], $0x7D0  }
0x13b: {  	[sflag:s0] =	ssyncset.done @!p0 $0x0  }
0x13c: {  	s31 =	rddreg [dreg:$0x5];
	[sflag:s0] =	ssyncadd.s32 @!p0 $0xFFFFF830  }
0x13d: {  	[tilespmem:s2], [sflag:$0x5] =	stream.linear.gather [hbm4b:s31+s2], $0x6400, $0x38;
	[tilespmem:$0x1F7E8] =	vst v63  }
0x13e: {  	_ =	swait.ge [sflag:s26], $0x6400  }
0x13f: {  	[sflag:s26] =	ssyncset.done $0x0  }
0x140: {  	[sflag:s26] =	ssyncadd.s32 $0xFFFF9C00  }
0x141: {  	[bflag:$0x0] =	sbarrier.arrive $0xFFFF  }
0x142: {  	[tilespmem:s10], [sflag:$0x1] =	stream.indirect.gather [spmem:s1], $0x20, s2, s8, $0xb8;
	[tilespmem:$0x1F7E8] =	vst v63  }
0x143: {  	_ =	swait.ge [sflag:s11], $0xC800  }
0x144: {  	[sflag:s11] =	ssyncset.done $0x0  }
0x145: {  	s29 =	rddreg [dreg:$0x6];
	[sflag:s11] =	ssyncadd.s32 $0xFFFF3800  }
0x146: {  	[hbm4b:s29+s2] =	stream.linear.scatter [tilespmem:s10], [sflag:$0x3], $0xC800, $0x38;
	[tilespmem:$0x1F7E8] =	vst v63  }
0x147: {  	_ = 	snop  }
0x148: {  	[tilespmem:s7], [sflag:$0x2] =	stream.indirect.gather [spmem:s1], $0x20, s8, s8, $0xb8;
	[tilespmem:$0x1F7E8] =	vst v63  }
0x149: {  	_ =	swait.ge [sflag:s9], $0xC800  }
0x14a: {  	[sflag:s9] =	ssyncset.done $0x0  }
0x14b: {  	s31 =	rddreg [dreg:$0x7];
	[sflag:s9] =	ssyncadd.s32 $0xFFFF3800  }
0x14c: {  	[hbm4b:s31+s2] =	stream.linear.scatter [tilespmem:s7], [sflag:$0x4], $0xC800, $0x38;
	[tilespmem:$0x1F7E8] =	vst v63  }
0x14d: {  	_ =	swait.ge [sflag:s6], $0xC800  }
0x14e: {  	[sflag:s6] =	ssyncset.done $0x0  }
0x14f: {  	[sflag:s6] =	ssyncadd.s32 $0xFFFF3800  }
0x150: {  	[tilespmem:s10], [sflag:$0x1] =	stream.indirect.gather [spmem:s1], $0x20, s25, s8, $0xb8;
	[tilespmem:$0x1F7E8] =	vst v63  }
0x151: {  	_ =	swait.ge [sflag:s11], $0xC800  }
0x152: {  	[sflag:s11] =	ssyncset.done $0x0  }
0x153: {  	s26 =	rddreg [dreg:$0x8];
	[sflag:s11] =	ssyncadd.s32 $0xFFFF3800  }
0x154: {  	[hbm4b:s26+s2] =	stream.linear.scatter [tilespmem:s10], [sflag:$0x3], $0xC800, $0x38;
	[tilespmem:$0x1F7E8] =	vst v63  }
0x155: {  	_ =	swait.ge [sflag:s4], $0xC800  }
0x156: {  	[sflag:s4] =	ssyncset.done $0x0  }
0x157: {  	[sflag:s4] =	ssyncadd.s32 $0xFFFF3800  }
0x158: {  	[tilespmem:s7], [sflag:$0x2] =	stream.indirect.gather [spmem:s1], $0x20, s24, s8, $0xb8;
	[tilespmem:$0x1F7E8] =	vst v63  }
0x159: {  	_ =	swait.ge [sflag:s9], $0xC800  }
0x15a: {  	[sflag:s9] =	ssyncset.done $0x0  }
0x15b: {  	s28 =	rddreg [dreg:$0x9];
	[sflag:s9] =	ssyncadd.s32 $0xFFFF3800  }
0x15c: {  	[hbm4b:s28+s2] =	stream.linear.scatter [tilespmem:s7], [sflag:$0x4], $0xC800, $0x38;
	[tilespmem:$0x1F7E8] =	vst v63  }
0x15d: {  	_ =	swait.ge [sflag:s6], $0xC800  }
0x15e: {  	[sflag:s6] =	ssyncset.done $0x0  }
0x15f: {  	[sflag:s6] =	ssyncadd.s32 $0xFFFF3800  }
0x160: {  	[tilespmem:s10], [sflag:$0x1] =	stream.indirect.gather [spmem:s1], $0x20, s23, s8, $0xb8;
	[tilespmem:$0x1F7E8] =	vst v63  }
0x161: {  	_ =	swait.ge [sflag:s11], $0xC800  }
0x162: {  	[sflag:s11] =	ssyncset.done $0x0  }
0x163: {  	s29 =	rddreg [dreg:$0xa];
	[sflag:s11] =	ssyncadd.s32 $0xFFFF3800  }
0x164: {  	[hbm4b:s29+s2] =	stream.linear.scatter [tilespmem:s10], [sflag:$0x3], $0xC800, $0x38;
	[tilespmem:$0x1F7E8] =	vst v63  }
0x165: {  	_ =	swait.ge [sflag:s4], $0xC800  }
0x166: {  	[sflag:s4] =	ssyncset.done $0x0  }
0x167: {  	[sflag:s4] =	ssyncadd.s32 $0xFFFF3800  }
0x168: {  	[tilespmem:s7], [sflag:$0x2] =	stream.indirect.gather [spmem:s1], $0x20, s22, s8, $0xb8;
	[tilespmem:$0x1F7E8] =	vst v63  }
0x169: {  	_ =	swait.ge [sflag:s9], $0xC800  }
0x16a: {  	[sflag:s9] =	ssyncset.done $0x0  }
0x16b: {  	s31 =	rddreg [dreg:$0xb];
	[sflag:s9] =	ssyncadd.s32 $0xFFFF3800  }
0x16c: {  	[hbm4b:s31+s2] =	stream.linear.scatter [tilespmem:s7], [sflag:$0x4], $0xC800, $0x38;
	[tilespmem:$0x1F7E8] =	vst v63  }
0x16d: {  	_ =	swait.ge [sflag:s6], $0xC800  }
0x16e: {  	[sflag:s6] =	ssyncset.done $0x0  }
0x16f: {  	[sflag:s6] =	ssyncadd.s32 $0xFFFF3800  }
0x170: {  	[tilespmem:s10], [sflag:$0x1] =	stream.indirect.gather [spmem:s1], $0x20, s21, s8, $0xb8;
	[tilespmem:$0x1F7E8] =	vst v63  }
0x171: {  	_ =	swait.ge [sflag:s11], $0xC800  }
0x172: {  	[sflag:s11] =	ssyncset.done $0x0  }
0x173: {  	s22 =	rddreg [dreg:$0xc];
	[sflag:s11] =	ssyncadd.s32 $0xFFFF3800  }
0x174: {  	[hbm4b:s22+s2] =	stream.linear.scatter [tilespmem:s10], [sflag:$0x3], $0xC800, $0x38;
	[tilespmem:$0x1F7E8] =	vst v63  }
0x175: {  	_ =	swait.ge [sflag:s4], $0xC800  }
0x176: {  	[sflag:s4] =	ssyncset.done $0x0  }
0x177: {  	[sflag:s4] =	ssyncadd.s32 $0xFFFF3800  }
0x178: {  	[tilespmem:s7], [sflag:$0x2] =	stream.indirect.gather [spmem:s1], $0x20, s20, s8, $0xb8;
	[tilespmem:$0x1F7E8] =	vst v63  }
0x179: {  	_ =	swait.ge [sflag:s9], $0xC800  }
0x17a: {  	[sflag:s9] =	ssyncset.done $0x0  }
0x17b: {  	s23 =	rddreg [dreg:$0xd];
	[sflag:s9] =	ssyncadd.s32 $0xFFFF3800  }
0x17c: {  	[hbm4b:s23+s2] =	stream.linear.scatter [tilespmem:s7], [sflag:$0x4], $0xC800, $0x38;
	[tilespmem:$0x1F7E8] =	vst v63  }
0x17d: {  	_ =	swait.ge [sflag:s6], $0xC800  }
0x17e: {  	[sflag:s6] =	ssyncset.done $0x0  }
0x17f: {  	[sflag:s6] =	ssyncadd.s32 $0xFFFF3800  }
0x180: {  	[tilespmem:s10], [sflag:$0x1] =	stream.indirect.gather [spmem:s1], $0x20, s19, s8, $0xb8;
	[tilespmem:$0x1F7E8] =	vst v63  }
0x181: {  	_ =	swait.ge [sflag:s11], $0xC800  }
0x182: {  	[sflag:s11] =	ssyncset.done $0x0  }
0x183: {  	s24 =	rddreg [dreg:$0xe];
	[sflag:s11] =	ssyncadd.s32 $0xFFFF3800  }
0x184: {  	[hbm4b:s24+s2] =	stream.linear.scatter [tilespmem:s10], [sflag:$0x3], $0xC800, $0x38;
	[tilespmem:$0x1F7E8] =	vst v63  }
0x185: {  	_ =	swait.ge [sflag:s4], $0xC800  }
0x186: {  	[sflag:s4] =	ssyncset.done $0x0  }
0x187: {  	[sflag:s4] =	ssyncadd.s32 $0xFFFF3800  }
0x188: {  	[tilespmem:s7], [sflag:$0x2] =	stream.indirect.gather [spmem:s1], $0x20, s18, s8, $0xb8;
	[tilespmem:$0x1F7E8] =	vst v63  }
0x189: {  	_ =	swait.ge [sflag:s9], $0xC800  }
0x18a: {  	[sflag:s9] =	ssyncset.done $0x0  }
0x18b: {  	s25 =	rddreg [dreg:$0xf];
	[sflag:s9] =	ssyncadd.s32 $0xFFFF3800  }
0x18c: {  	[hbm4b:s25+s2] =	stream.linear.scatter [tilespmem:s7], [sflag:$0x4], $0xC800, $0x38;
	[tilespmem:$0x1F7E8] =	vst v63  }
0x18d: {  	_ =	swait.ge [sflag:s6], $0xC800  }
0x18e: {  	[sflag:s6] =	ssyncset.done $0x0  }
0x18f: {  	[sflag:s6] =	ssyncadd.s32 $0xFFFF3800  }
0x190: {  	[tilespmem:s10], [sflag:$0x1] =	stream.indirect.gather [spmem:s1], $0x20, s17, s8, $0xb8;
	[tilespmem:$0x1F7E8] =	vst v63  }
0x191: {  	_ =	swait.ge [sflag:s11], $0xC800  }
0x192: {  	[sflag:s11] =	ssyncset.done $0x0  }
0x193: {  	s26 =	rddreg [dreg:$0x10];
	[sflag:s11] =	ssyncadd.s32 $0xFFFF3800  }
0x194: {  	[hbm4b:s26+s2] =	stream.linear.scatter [tilespmem:s10], [sflag:$0x3], $0xC800, $0x38;
	[tilespmem:$0x1F7E8] =	vst v63  }
0x195: {  	_ =	swait.ge [sflag:s4], $0xC800  }
0x196: {  	[sflag:s4] =	ssyncset.done $0x0  }
0x197: {  	[sflag:s4] =	ssyncadd.s32 $0xFFFF3800  }
0x198: {  	[tilespmem:s7], [sflag:$0x2] =	stream.indirect.gather [spmem:s1], $0x20, s16, s8, $0xb8;
	[tilespmem:$0x1F7E8] =	vst v63  }
0x199: {  	_ =	swait.ge [sflag:s9], $0xC800  }
0x19a: {  	[sflag:s9] =	ssyncset.done $0x0  }
0x19b: {  	s28 =	rddreg [dreg:$0x11];
	[sflag:s9] =	ssyncadd.s32 $0xFFFF3800  }
0x19c: {  	[hbm4b:s28+s2] =	stream.linear.scatter [tilespmem:s7], [sflag:$0x4], $0xC800, $0x38;
	[tilespmem:$0x1F7E8] =	vst v63  }
0x19d: {  	_ =	swait.ge [sflag:s6], $0xC800  }
0x19e: {  	[sflag:s6] =	ssyncset.done $0x0  }
0x19f: {  	[sflag:s6] =	ssyncadd.s32 $0xFFFF3800  }
0x1a0: {  	[tilespmem:s10], [sflag:$0x1] =	stream.indirect.gather [spmem:s1], $0x20, s15, s8, $0xb8;
	[tilespmem:$0x1F7E8] =	vst v63  }
0x1a1: {  	_ =	swait.ge [sflag:s11], $0xC800  }
0x1a2: {  	[sflag:s11] =	ssyncset.done $0x0  }
0x1a3: {  	s29 =	rddreg [dreg:$0x12];
	[sflag:s11] =	ssyncadd.s32 $0xFFFF3800  }
0x1a4: {  	[hbm4b:s29+s2] =	stream.linear.scatter [tilespmem:s10], [sflag:$0x3], $0xC800, $0x38;
	[tilespmem:$0x1F7E8] =	vst v63  }
0x1a5: {  	_ =	swait.ge [sflag:s4], $0xC800  }
0x1a6: {  	[sflag:s4] =	ssyncset.done $0x0  }
0x1a7: {  	[sflag:s4] =	ssyncadd.s32 $0xFFFF3800  }
0x1a8: {  	[tilespmem:s7], [sflag:$0x2] =	stream.indirect.gather [spmem:s1], $0x20, s14, s8, $0xb8;
	[tilespmem:$0x1F7E8] =	vst v63  }
0x1a9: {  	_ =	swait.ge [sflag:s9], $0xC800  }
0x1aa: {  	[sflag:s9] =	ssyncset.done $0x0  }
0x1ab: {  	s31 =	rddreg [dreg:$0x13];
	[sflag:s9] =	ssyncadd.s32 $0xFFFF3800  }
0x1ac: {  	[hbm4b:s31+s2] =	stream.linear.scatter [tilespmem:s7], [sflag:$0x4], $0xC800, $0x38;
	[tilespmem:$0x1F7E8] =	vst v63  }
0x1ad: {  	_ =	swait.ge [sflag:s6], $0xC800  }
0x1ae: {  	[sflag:s6] =	ssyncset.done $0x0  }
0x1af: {  	[sflag:s6] =	ssyncadd.s32 $0xFFFF3800  }
0x1b0: {  	[tilespmem:s10], [sflag:$0x1] =	stream.indirect.gather [spmem:s1], $0x20, s13, s8, $0xb8;
	[tilespmem:$0x1F7E8] =	vst v63  }
0x1b1: {  	_ =	swait.ge [sflag:s11], $0xC800  }
0x1b2: {  	[sflag:s11] =	ssyncset.done $0x0  }
0x1b3: {  	[sflag:s11] =	ssyncadd.s32 $0xFFFF3800  }
0x1b4: {  	[hbm4b:s5+s2] =	stream.linear.scatter [tilespmem:s10], [sflag:$0x3], $0xC800, $0x38;
	[tilespmem:$0x1F7E8] =	vst v63  }
0x1b5: {  	_ =	swait.ge [sflag:s4], $0xC800  }
0x1b6: {  	[sflag:s4] =	ssyncset.done $0x0  }
0x1b7: {  	[sflag:s4] =	ssyncadd.s32 $0xFFFF3800  }
0x1b8: {  	[tilespmem:s7], [sflag:$0x2] =	stream.indirect.gather [spmem:s1], $0x20, s12, s8, $0xb8;
	[tilespmem:$0x1F7E8] =	vst v63  }
0x1b9: {  	_ =	swait.ge [sflag:s9], $0xC800  }
0x1ba: {  	[sflag:s9] =	ssyncset.done $0x0  }
0x1bb: {  	[sflag:s9] =	ssyncadd.s32 $0xFFFF3800  }
0x1bc: {  	[hbm4b:s3+s2] =	stream.linear.scatter [tilespmem:s7], [sflag:$0x4], $0xC800, $0x38;
	[tilespmem:$0x1F7E8] =	vst v63  }
0x1bd: {  	_ =	swait.ge [sflag:s6], $0xC800  }
0x1be: {  	[sflag:s6] =	ssyncset.done $0x0  }
0x1bf: {  	[sflag:s6] =	ssyncadd.s32 $0xFFFF3800  }
0x1c0: {  	_ =	swait.ge [sflag:s4], $0xC800  }
0x1c1: {  	[sflag:s4] =	ssyncset.done $0x0  }
0x1c2: {  	[sflag:s4] =	ssyncadd.s32 $0xFFFF3800  }
0x1c3: {  	_ =	sfence.sel $0x180000  }
0x1c4: {  	[bflag:$0x0] =	sbarrier.arrive $0xFFFF  }
0x1c5: {  	_ =	strace $0x90000047  }
0x1c6: {  	s0 =	sadd.s32 @!p0 $0x100000, s30;
	[bflag:$0x2] =	sbarrier.arrive $0xFFFF  }
0x1c7: {  	[sflag:s0] =	ssyncadd.tile.s32 @!p0 $0x1;
	_ =	shalt  }
.LBB2_2:
.Ltmp3:
0x1c8: {  	(pc) =	sbr.rel .LBB2_5-.Ltmp3, $2  }
0x1c9: {  	_ =	sdelay $0x2  }
0x1ca: {  	s30 =	rddreg [dreg:$0x3]  }
.Lfunc_end2:
_tile_overlayer_lowered:
.L_overlay_start_2:
0x1cb: {  	(tag) =	ssettag $0x2  }
0x1cc: {  	s0 =	rddreg [dreg:$0x0];
	s2 =	stileid.u32  }
0x1cd: {  	s1 =	rddreg [dreg:$0x1];
	p0 =	sne.s32 s2, $0x0  }
0x1ce: {  	s3 =	rddreg [dreg:$0x2];
	[bflag:$0x3] =	sbarrier.arrive $0xFFFF;
	s2 =	simm.s32 @!p0 $0x1C05  }
0x1cf: {  	[timem:s3], [sflag:s2] =	dma.local @!p0 [hbm:s0], s1  }
0x1d0: {  	s0 =	simm.s32 @!p0 $0x5  }
0x1d1: {  	_ =	swait.ge @!p0 [sflag:s0], s1  }
0x1d2: {  	s1 =	ssub.s32 @!p0 $0x0, s1;
	[sflag:s0] =	ssyncset.done @!p0 $0x0  }
0x1d3: {  	[sflag:s0] =	ssyncadd.s32 @!p0 s1  }
0x1d4: {  	[bflag:$0x3] =	sbarrier.arrive $0xFFFF  }
0x1d5: {  	_ =	shalt  }

// kernel: sparse-core-data-format-call.cloned.1.call-start
scs
called_computation_lowered:
.L_overlay_start_0:
0x0: {  	s2 =	sld [smem:$0x3FD9]  }
0x1: {  	s3 =	sld [smem:$0x3FFE];
	_ =	sdelay $0x1  }
0x2: {  	s1 =	srdreg.scid  }
0x3: {  	s0 =	sand.u32 $0x1, s1  }
0x4: {  	s18 =	sshll.u32 s0, $0xA;
	s2 =	sadd.s32 s3, s2  }
0x5: {  	s2 =	sadd.s32 s2, s18  }
0x6: {  	[smem:$0x3FC4] =	sst s2  }
0x7: {  	_ = 	snop  }
0x8: {  	s2 =	sld [smem:$0x3FD0];
	(tm) =	ssettm $0x1  }
0x9: {  	s19 =	sld [smem:$0x3FFB];
	_ =	sdelay $0x3  }
0xa: {  	_ =	strace s19  }
0xb: {  	s3 =	sld [smem:$0x3FFC];
	_ =	sdelay $0x3  }
0xc: {  	_ =	strace s3  }
0xd: {  	s3 =	sld [smem:$0x3FFD];
	_ =	sdelay $0x3  }
0xe: {  	_ =	strace s3  }
0xf: {  	_ =	strace $0x8FFFFFFF  }
0x10: {  	s20 =	sld [smem:$0x3FDB];
	_ =	sdelay $0x1  }
0x11: {  	s4 =	simm.s32 $_scs_section_size  }
0x12: {  	s5 =	simm.s32 $_size__tile_overlayer_lowered;
	s6 =	simm.s32 $_tile_overlayer_lowered  }
0x13: {  	s23 =	simm.s32 $0x1BFF;
	s22 =	sshll.u32 s6, $0x1;
	s3 =	sadd.s32 s4, s20  }
0x14: {  	s7 =	simm.s32 $0x0;
	s21 =	sshll.u32 s5, $0x1;
	s5 =	sadd.s32 s22, s3  }
0x15: {  	[timem:s7], [sflag:s23] =	dma.local [hbm:s5], s21  }
0x16: {  	_ =	swait.ge [sflag:s23], s21  }
0x17: {  	s4 =	ssub.s32 $0x0, s21;
	[sflag:s23] =	ssyncset.done $0x0  }
0x18: {  	[sflag:s23] =	ssyncadd.s32 s4;
	_ =	sdelay $0x1  }
0x19: {  	s24 =	simm.s32 $0x1B8B  }
0x1a: {  	_ =	swait.ge [sflag:s24], $0x1  }
0x1b: {  	[sflag:s24] =	ssyncset.done $0x0  }
0x1c: {  	s26 =	simm.s32 $0x1B8E;
	s25 =	sld [smem:$0x3FFE];
	[sflag:s24] =	ssyncadd.s32 $0xFFFFFFFF  }
0x1d: {  	s27 =	simm.s32 $execute0_lowered;
	[smem:$0x3FD2] =	sst s26  }
0x1e: {  	s5 =	sshll.u32 s27, $0x1;
	_ =	strace $0x80000049;
	[dreg:$0x1] =	wrdreg $0xFFFFFFFF  }
0x1f: {  	s28 =	simm.s32 $_size_execute0_lowered;
	s3 =	sadd.s32 s3, s5;
	[dreg:$0x0] =	wrdreg $0x0  }
0x20: {  	s5 =	sshll.u32 s28, $0x1;
	[dreg:$0x2] =	wrdreg s3  }
0x21: {  	[dreg:$0x3] =	wrdreg s5  }
0x22: {  	[dreg:$0x4] =	wrdreg $0xC0  }
0x23: {  	_ =	task [dreg:s7], $0x5FFFF  }
0x24: {  	[dreg:$0x1] =	wrdreg $0xFFFFFFFF  }
0x25: {  	[dreg:$0x0] =	wrdreg $0x60  }
0x26: {  	[dreg:$0x2] =	wrdreg s25  }
0x27: {  	[dreg:$0x3] =	wrdreg s2  }
0x28: {  	[dreg:$0x4] =	wrdreg $0x9  }
0x29: {  	_ =	task.clear_ibuf [dreg:s7], $0x5FFFF;
	_ =	strace $0x90000049  }
0x2a: {  	s29 =	simm.s32 $0x9;
	_ =	strace $0x8000004B  }
0x2b: {  	_ =	swait.ge [sflag:s29], $0x1  }
0x2c: {  	[sflag:s29] =	ssyncadd.s32 $0xFFFFFFFF  }
0x2d: {  	_ =	strace $0x9000004B  }
0x2e: {  	_ =	sfence  }
0x2f: {  	s30 =	sld [smem:$0x0];
	_ =	sdelay $0x2  }
0x30: {  	s31 =	sshll.u32 s1, $0xD;
	s1 =	sshrl.u32 s1, $0x2  }
0x31: {  	s3 =	sand.u32 $0x4000, s31;
	s1 =	sadd.s32 s1, s30  }
0x32: {  	s0 =	sor.u32 s3, s0;
	s1 =	sshll.u32 s1, $0x11  }
0x33: {  	s0 =	sor.u32 s1, s0  }
0x34: {  	s0 =	sadd.s32 $0x8F2B, s0  }
0x35: {  	[sflag:s0] =	ssyncadd.remote.s32 $0x1  }
0x36: {  	_ =	sfence.sel $0xFFFF  }
0x37: {  	[dreg:$0x0] =	wrdreg $0xFFFFFFFF;
	(pc) =	sbr.abs _section_cstart, $3  }
0x38: {  	[dreg:$0x1] =	wrdreg $0xFFFFFFFF  }
0x39: {  	_ =	task.clear_ibuf [dreg:s7], $0x2FFFF;
	_ =	strace $0x9FFFFFFF  }
0x3a: {  	(tm) =	ssettm $0x7FFFFFFF  }
0x3b: {  	_ =	shalt  }
tec
execute0_lowered:
.L_overlay_start_1:
0x0: {  	(tag) =	ssettag $0x1  }
0x1: {  	s0 =	srdreg.scid  }
0x2: {  	s1 =	sshll.u32 s0, $0x4  }
0x3: {  	s6 =	rddreg [dreg:$0x0];
	s0 =	stileid.u32;
	s1 =	sand.u32 $0x10, s1  }
0x4: {  	s3 =	rddreg [dreg:$0x1];
	s1 =	sor.u32 s0, s1  }
0x5: {  	s5 =	simm.s32 $0x1;
	s31 =	simm.s32 $0x2;
	s2 =	sshll.u32 s1, $0x7  }
0x6: {  	s15 =	simm.s32 $0x0;
	s8 =	simm.s32 $0xC8000;
	s4 =	ssub.s32 $0x1000, s2  }
0x7: {  	s14 =	simm.s32 $0x0;
	s9 =	simm.s32 $0x0;
	s30 =	sand.u32 $0xF80, s4  }
0x8: {  	s10 =	simm.s32 $0x0;
	s11 =	simm.s32 $0x0;
	p0 =	sne.s32 s30, $0x0  }
.Ltmp0:
0x9: {  	s7 =	sshrl.u32 s4, $0xC;
	s5 =	simm.s32 @!p0 $0x0;
	(pc) =	sbr.rel .LBB1_1-.Ltmp0, $4  }
0xa: {  	s13 =	simm.s32 $0x0;
	s1 =	rddreg [dreg:$0x2];
	s5 =	sadd.s32 s5, s7  }
0xb: {  	_ =	strace $0x8000004A;
	s4 =	simm.s32 $0x1;
	s5 =	smul.u32 $0xC8, s5  }
0xc: {  	s6 =	sadd.s32 $0x321400, s6;
	s12 =	smov.u32 s2;
	[sflag:s4] =	ssyncpa.u1 $0x0  }
0xd: {  	[sflag:s31] =	ssyncpa.u1 $0x0;
	p0 =	por $0x0, $0x0;
	s7 =	sor.u32 $0x1, s5  }
.LBB1_4:
0xe: {  	s18 =	sshll.u32 s9, $0xC;
	s19 =	sand.u32 $0x78, s10;
	s20 =	sshll.u32 s10, $0x3  }
0xf: {  	s22 =	sshll.u32 s9, $0x7;
	p1 =	sgt.s32 s9, $0xC7;
	s25 =	sshra.s32 s9, $0x1F  }
0x10: {  	s23 =	smov.u32 s10;
	s24 =	sshra.s32 s10, $0x1F;
	s29 =	sand.u32 $0x7, s10  }
0x11: {  	s18 =	sand.u32 $0xFFFF8000, s18;
	s21 =	sand.u32 $0xFFFFFC00, s20;
	s20 =	sand.u32 $0xC00, s20  }
0x12: {  	s30 =	sand.u32 $0x380, s22;
	s22 =	sand.u32 s25, s9;
	s18 =	sadd.s32 s21, s18  }
0x13: {  	s19 =	sor.u32 s19, s20;
	s20 =	smov.u32 s9;
	s18 =	sshrl.u32 s18, $0xC  }
0x14: {  	s20 =	simm.s32 @!p1 $0xC7;
	p1 =	sgt.s32 s10, $0xF80;
	s31 =	smulhi.u32 $0x147AE15, s18  }
0x15: {  	s26 =	sand.u32 s24, s10;
	s20 =	ssub.s32 s20, s22;
	s23 =	simm.s32 @!p1 $0xF80  }
0x16: {  	s27 =	ssub.s32 $0xC8, s20;
	s22 =	ssub.s32 s23, s26;
	s21 =	smul.u32 $0xC8, s31  }
0x17: {  	s20 =	sadd.s32 $0xFFFFFF39, s20;
	s23 =	smul.u32 $0x1E, s27;
	s28 =	sadd.s32 $0xFFFFF080, s22  }
0x18: {  	p1 =	sgt.s32 s20, $0x0;
	s20 =	ssub.s32 $0x1000, s22;
	p2 =	sgt.s32 s28, $0x7F  }
0x19: {  	s19 =	sor.u32 s30, s19;
	s23 =	simm.s32 @p1 $0x0;
	s20 =	simm.s32 @p2 $0x0  }
0x1a: {  	s19 =	sshrl.u32 s19, $0x3;
	s18 =	ssub.s32 s18, s21;
	s20 =	smul.u32 s20, s23  }
0x1b: {  	s19 =	sadd.s32 s3, s19;
	s21 =	sshll.u32 s29, $0x12;
	s18 =	sshll.u32 s18, $0x9  }
0x1c: {  	[tilespmem:s17+$0x0 ss:$0x81] =	vst.msk $0xffff, v0;
	s31 =	sor.u32 $0x80, s21;
	s18 =	sadd.s32 s18, s19;
	s30 =	sand.u32 $0x3FFFFFFE, s20  }
0x1d: {  	[hbm4b:s18+s31] =	stream.strided.scatter [tilespmem:s16], [sflag:$0x2], s30, s8, s31, $0x20;
	[tilespmem:$0x4040] =	vst v63  }
.LBB1_5:
0x1e: {  	p1 =	slt.u32 s13, $0x2  }
0x1f: {  	s17 =	smov.u32 s15;
	p2 =	sgt.s32 @!p1 s15, $0xC7;
	s16 =	sshra.s32 @!p1 s15, $0x1F  }
0x20: {  	p3 =	sgt.s32 @!p1 s14, $0xF80;
	s18 =	sshra.s32 @!p1 s14, $0x1F;
	p2 =	por !p2, p1  }
0x21: {  	s15 =	sand.u32 @!p1 s16, s15;
	p3 =	por !p3, p1;
	s16 =	smov.u32 s14  }
0x22: {  	s14 =	sand.u32 @!p1 s18, s14;
	s17 =	simm.s32 @p2 $0xC7;
	s16 =	simm.s32 @p3 $0xF80  }
0x23: {  	s18 =	smov.u32 s12;
	s15 =	ssub.s32 @!p1 s17, s15;
	s14 =	ssub.s32 @!p1 s16, s14  }
0x24: {  	s16 =	sadd.s32 @!p1 $0xFFFFFF39, s15;
	s15 =	ssub.s32 @!p1 $0xC8, s15;
	s17 =	sadd.s32 @!p1 $0xFFFFF080, s14  }
0x25: {  	p2 =	sgt.s32 @!p1 s16, $0x0;
	s15 =	smul.u32 @!p1 $0x1E, s15;
	p3 =	sgt.s32 @!p1 s17, $0x7F  }
0x26: {  	s14 =	ssub.s32 @!p1 $0x1000, s14;
	p2 =	por !p2, p1;
	p3 =	por !p3, p1  }
0x27: {  	s16 =	sadd.s32 $0x1, s11;
	s15 =	simm.s32 @!p2 $0x0;
	s14 =	simm.s32 @!p3 $0x0  }
0x28: {  	p2 =	sgt.s32 s16, $0xC7;
	s14 =	smul.u32 @!p1 s14, s15;
	s15 =	sadd.s32 $0x1000, s12  }
0x29: {  	s18 =	smov.u32 @p2 s15  }
0x2a: {  	s16 =	simm.s32 @p2 $0x0;
	p2 =	sgt.s32 s18, $0xFFF  }
0x2b: {  	s18 =	smov.u32 @p2 s2;
	p2 =	sne.s32 s13, s7  }
.Ltmp1:
0x2c: {  	p0 =	por !p0, !p0;
	s17 =	simm.s32 @!p1 $0x2;
	(pc) =	sbr.rel @!p2 .LBB1_6-.Ltmp1, $4  }
0x2d: {  	s15 =	smov.u32 s9;
	s9 =	smov.u32 s11;
	s14 =	sand.u32 @!p1 $0x3FFFFFFE, s14  }
0x2e: {  	s11 =	smov.u32 s16;
	_ =	swait.ge @!p1 [sflag:s17], s14;
	s19 =	ssub.s32 @!p1 $0x0, s14  }
0x2f: {  	s14 =	smov.u32 s10;
	s13 =	sadd.s32 $0x1, s13;
	[sflag:s17] =	ssyncset.done @!p1 $0x0  }
0x30: {  	s10 =	smov.u32 s12;
	s12 =	smov.u32 s18;
	[sflag:s17] =	ssyncadd.s32 @!p1 s19  }
.LBB1_1:
0x31: {  	p1 =	sge.u32 s13, s5  }
0x32: {  	s16 =	sand.u32 @!p1 $0x1FFFFFF, s11  }
0x33: {  	s17 =	smulhi.u32 @!p1 $0x147AE15, s16;
	_ =	sdelay $0x1  }
0x34: {  	s17 =	smul.u32 @!p1 $0xC8, s17  }
0x35: {  	s18 =	sxor.u32 @!p1 $0xFFFFFFFF, s13;
	s19 =	smul.u32 @!p1 $0xC80, s12  }
0x36: {  	s31 =	sadd.s32 $0xFFFFFFFF, s13;
	s18 =	sshll.u32 @!p1 s18, $0xC;
	s16 =	ssub.s32 @!p1 s16, s17  }
0x37: {  	s17 =	sand.u32 @!p1 $0x1000, s18;
	s18 =	sadd.s32 @!p1 s6, s19;
	s16 =	sshll.u32 @!p1 s16, $0x4  }
0x38: {  	s19 =	simm.s32 @!p1 $0x6400;
	s16 =	sadd.s32 @!p1 s16, s18;
	s18 =	simm.s32 @!p1 $0x20  }
0x39: {  	[tilespmem:s17], [sflag:$0x1] =	stream.strided.gather @!p1 [hbm4b:s16+s18], $0x1000, s19, s18, $0x38;
	[tilespmem:$0x4040] =	vst v63  }
0x3a: {  	p1 =	sge.u32 s31, s5  }
.Ltmp2:
0x3b: {  	_ = 	snop;
	(pc) =	sbr.rel @p1 .LBB1_5-.Ltmp2, $1  }
0x3c: {  	_ =	sdelay $0x3  }
0x3d: {  	s16 =	simm.s32 $0x1  }
0x3e: {  	_ =	swait.ge [sflag:s4], $0x1000;
	s16 =	simm.s32 @!p0 $0x0  }
0x3f: {  	[sflag:s4] =	ssyncset.done $0x0;
	s17 =	sshll.u32 s16, $0xC  }
0x40: {  	[sflag:s4] =	ssyncadd.s32 $0xFFFFF000;
	s20 =	sor.u32 $0x10, s17  }
0x41: {  	s16 =	smul.u32 $0x4080, s16;
	v1 =	vld [tilespmem:s20+$0x0]  }
0x42: {  	s30 =	sand.u32 $0x1, s13;
	v0 =	vld [tilespmem:s20+$0xFFFFFFF0]  }
0x43: {  	s17 =	smul.u32 $0x4080, s30;
	s16 =	sshrl.u32 s16, $0x2  }
0x44: {  	s18 =	sor.u32 $0x2000, s16  }
0x45: {  	s31 =	sshrl.u32 s17, $0x2;
	s17 =	sadd.s32 $0x0, s18  }
0x46: {  	s19 =	simm.s32 $0x4;
	s20 =	sadd.s32 $0x20, s20;
	s16 =	sor.u32 $0x2000, s31;
	[tilespmem:s17+$0x810 ss:$0x81] =	vst.msk $0xffff, v1  }
.LBB1_3:
0x47: {  	v1 =	vld [tilespmem:s20+$0x0];
	p1 =	sne.s32 s19, $0x1FC;
	[tilespmem:s17+$0x0 ss:$0x81] =	vst.msk $0xffff, v0;
	s17 =	smov.u32 s19;
	s19 =	sadd.s32 $0x4, s19  }
.Ltmp3:
0x48: {  	v0 =	vld [tilespmem:s20+$0xFFFFFFF0];
	(pc) =	sbr.rel @p1 .LBB1_3-.Ltmp3, $4  }
0x49: {  	_ = 	snop  }
0x4a: {  	s17 =	sshra.s32 s17, $0x2  }
0x4b: {  	s17 =	sadd.s32 s17, s18  }
0x4c: {  	s20 =	sadd.s32 $0x20, s20;
	[tilespmem:s17+$0x810 ss:$0x81] =	vst.msk $0xffff, v1  }
.Ltmp4:
0x4d: {  	_ = 	snop;
	(pc) =	sbr.rel .LBB1_4-.Ltmp4, $1  }
0x4e: {  	_ =	sdelay $0x3  }
.LBB1_6:
0x4f: {  	_ =	sfence.sel $0x180000  }
0x50: {  	s2 =	simm.s32 $0x1;
	[bflag:$0x0] =	sbarrier.arrive $0xFFFF  }
0x51: {  	s31 =	simm.s32 $0x2;
	[sflag:s2] =	ssyncpa.u1 $0x1  }
0x52: {  	[sflag:s31] =	ssyncpa.u1 $0x1  }
0x53: {  	p0 =	sne.s32 s0, $0x0;
	_ =	strace $0x9000004A  }
0x54: {  	s0 =	sadd.s32 @!p0 $0x100000, s1;
	[bflag:$0x2] =	sbarrier.arrive $0xFFFF  }
0x55: {  	[sflag:s0] =	ssyncadd.tile.s32 @!p0 $0x1;
	_ =	shalt  }
.Lfunc_end1:
_tile_overlayer_lowered:
.L_overlay_start_2:
0x56: {  	(tag) =	ssettag $0x2  }
0x57: {  	s0 =	rddreg [dreg:$0x0];
	s2 =	stileid.u32  }
0x58: {  	s1 =	rddreg [dreg:$0x1];
	p0 =	sne.s32 s2, $0x0  }
0x59: {  	s3 =	rddreg [dreg:$0x2];
	[bflag:$0x3] =	sbarrier.arrive $0xFFFF;
	s2 =	simm.s32 @!p0 $0x1C01  }
0x5a: {  	[timem:s3], [sflag:s2] =	dma.local @!p0 [hbm:s0], s1  }
0x5b: {  	s0 =	simm.s32 @!p0 $0x1  }
0x5c: {  	_ =	swait.ge @!p0 [sflag:s0], s1  }
0x5d: {  	s1 =	ssub.s32 @!p0 $0x0, s1;
	[sflag:s0] =	ssyncset.done @!p0 $0x0  }
0x5e: {  	[sflag:s0] =	ssyncadd.s32 @!p0 s1  }
0x5f: {  	[bflag:$0x3] =	sbarrier.arrive $0xFFFF  }
0x60: {  	_ =	shalt  }

</sc_bundles>
